<compile_context>
chip_gen: v7x
topology: tpu7x:2x2x1
jax: 0.10.2.dev20260603
libtpu: 0.0.44.dev20260713+nightly
codegen_flags: <defaults>
</compile_context>

<pallas_src>
import functools
import math

import jax
import jax.numpy as jnp
from jax import lax
from jax.experimental import pallas as pl
from jax.experimental.pallas import tpu as pltpu
from jax.experimental.pallas import tpu_sc as plsc

_LANES = 16


def _emb_body(b_per_w, chunk, nchunks, d,
              table_hbm, idx_hbm, out_hbm,
              idx_v, gbufs, sbufs, gsems, ssems):
    scale = jnp.float32(math.sqrt(d))
    wid = lax.axis_index("s") * 2 + lax.axis_index("c")
    base = wid * b_per_w
    pltpu.sync_copy(idx_hbm.at[pl.ds(base, b_per_w)], idx_v)

    def start_gather(g, b):
        off = pl.multiple_of(g * chunk, chunk)
        pltpu.async_copy(
            table_hbm.at[idx_v.at[pl.ds(off, chunk)]], gbufs[b], gsems[b]
        )

    def wait_gather(b):
        pltpu.make_async_copy(
            table_hbm.at[idx_v.at[pl.ds(0, chunk)]], gbufs[b], gsems[b]
        ).wait()

    def start_write(g, b):
        off = pl.multiple_of(g * chunk, chunk)
        pltpu.async_copy(
            sbufs[b], out_hbm.at[pl.ds(base + off, chunk)], ssems[b]
        )

    def wait_write(b):
        pltpu.make_async_copy(
            sbufs[b], out_hbm.at[pl.ds(base, chunk)], ssems[b]
        ).wait()

    def do_scale(b):
        gbuf, sbuf = gbufs[b], sbufs[b]

        def row_body(i, c):
            for j in range(d // _LANES):
                sl = pl.ds(j * _LANES, _LANES)
                sbuf[i, sl] = gbuf[i, sl] * scale
            return c

        lax.fori_loop(0, chunk, row_body, 0, unroll=4)

    start_gather(0, 0)
    start_gather(1, 1)

    for b in range(2):
        wait_gather(b)
        do_scale(b)
        start_gather(2 + b, b)
        start_write(b, b)

    def round_body(r, carry):
        g0 = r * 2
        for b in range(2):
            g = g0 + b
            wait_gather(b)
            wait_write(b)
            do_scale(b)
            start_gather(g + 2, b)
            start_write(g, b)
        return carry

    lax.fori_loop(1, nchunks // 2 - 1, round_body, 0)

    for b in range(2):
        g = nchunks - 2 + b
        wait_gather(b)
        wait_write(b)
        do_scale(b)
        start_write(g, b)
    for b in range(2):
        wait_write(b)


def kernel(tokens, table):
    v, d = table.shape
    idx = tokens.reshape(-1).astype(jnp.int32)
    b = idx.shape[0]
    nw = 32
    b_per_w = b // nw
    chunk = 128
    nchunks = b_per_w // chunk

    mesh = plsc.VectorSubcoreMesh(core_axis_name="c", subcore_axis_name="s")
    f = pl.kernel(
        functools.partial(_emb_body, b_per_w, chunk, nchunks, d),
        mesh=mesh,
        compiler_params=pltpu.CompilerParams(use_tc_tiling_on_sc=False),
        out_type=jax.ShapeDtypeStruct((b, d), jnp.float32),
        scratch_types=[
            pltpu.VMEM((b_per_w,), jnp.int32),
            [pltpu.VMEM((chunk, d), jnp.float32) for _ in range(2)],
            [pltpu.VMEM((chunk, d), jnp.float32) for _ in range(2)],
            [pltpu.SemaphoreType.DMA for _ in range(2)],
            [pltpu.SemaphoreType.DMA for _ in range(2)],
        ],
    )
    out = f(table, idx)
    return out.reshape(*tokens.shape, d)

# --- scband reference (transcript-rebuilt; emitter-appended) ---
"""Pipeline reference for scband-token-embedding-30245159698944 (READ-ONLY COPY).

The authoritative reference and input builder live on the scoring server;
editing this copy changes nothing except your own understanding.
"""

import jax, jax.numpy as jnp
import numpy as np
import math

VOCAB = 1000000
EMB = 64

def setup_inputs(seed: int = 0) -> dict:
    key = jax.random.key(seed)
    k1, k2 = jax.random.split(key)
    tokens = jax.random.randint(k1, (4096, 200), 0, VOCAB, dtype=jnp.int64 if jax.config.read('jax_enable_x64') else jnp.int32)
    table = jax.random.normal(k2, (VOCAB, EMB), dtype=jnp.float32)
    return {"tokens": tokens, "table": table}

def reference(tokens, table):
    # TokenEmbedding.forward: embedding(tokens.long()) * sqrt(emb_size)
    emb = jnp.take(table, tokens, axis=0)
    return emb * math.sqrt(EMB)

if __name__ == "__main__":
    import jax
    _d = setup_inputs()
    print(jax.jit(kernel)(*tuple(_d.values())))

</pallas_src>

<mosaic_0001>
#map = affine_map<(d0, d1) -> (0, 0)>
#map1 = affine_map<(d0, d1) -> (0)>
module attributes {stable_mosaic.version = 14 : i64} {
  func.func @_emb_body(%arg0: i32, %arg1: i32, %arg2: memref<1000000x64xf32, #tpu.memory_space<hbm>>, %arg3: memref<819200xi32, #tpu.memory_space<hbm>>, %arg4: memref<819200x64xf32, #tpu.memory_space<hbm>>, %arg5: memref<25600xi32, #tpu.memory_space<vmem>>, %arg6: memref<128x64xf32, #tpu.memory_space<vmem>>, %arg7: memref<128x64xf32, #tpu.memory_space<vmem>>, %arg8: memref<128x64xf32, #tpu.memory_space<vmem>>, %arg9: memref<128x64xf32, #tpu.memory_space<vmem>>, %arg10: memref<!tpu.dma_semaphore, #tpu.memory_space<semaphore_mem>>, %arg11: memref<!tpu.dma_semaphore, #tpu.memory_space<semaphore_mem>>, %arg12: memref<!tpu.dma_semaphore, #tpu.memory_space<semaphore_mem>>, %arg13: memref<!tpu.dma_semaphore, #tpu.memory_space<semaphore_mem>>) attributes {dimension_semantics = [#tpu.dimension_semantics<core_parallel>, #tpu.dimension_semantics<subcore_parallel>], iteration_bounds = array<i64: 2, 16>, scalar_prefetch = 0 : i64, scratch_operands = 9 : i64, tpu.core_type = #tpu.core_type<sc_vector_subcore>, window_params = [{transform_indices = #map}, {transform_indices = #map1}, {transform_indices = #map}]} {
    %mul3A = arith.constant 2 : i32
    %mul3A_0 = arith.muli %arg1, %mul3A : i32
    %add3A = arith.addi %mul3A_0, %arg0 : i32
    %mul3A_1 = arith.constant 25600 : i32
    %mul3A_2 = arith.muli %add3A, %mul3A_1 : i32
    "tpu.region"() ({
      %run_scoped3A = tpu.sem_alloc : memref<!tpu.dma_semaphore, #tpu.memory_space<semaphore_mem>>
      %dma_start3A_122 = tpu.memref_slice %arg3[%mul3A_2] : memref<819200xi32, #tpu.memory_space<hbm>> -> memref<25600xi32, #tpu.memory_space<hbm>>
      %dma_start3A_123 = tpu.memref_slice %arg3[%mul3A_2] : memref<819200xi32, #tpu.memory_space<hbm>> -> memref<25600xi32, #tpu.memory_space<hbm>>
      tpu.enqueue_dma source(%dma_start3A_123 : memref<25600xi32, #tpu.memory_space<hbm>>) target(%arg5 : memref<25600xi32, #tpu.memory_space<vmem>>) target_semaphore(%run_scoped3A : memref<!tpu.dma_semaphore, #tpu.memory_space<semaphore_mem>>)
      %dma_wait3A_124 = tpu.memref_slice %arg3[%mul3A_2] : memref<819200xi32, #tpu.memory_space<hbm>> -> memref<25600xi32, #tpu.memory_space<hbm>>
      %dma_wait3A_125 = tpu.memref_slice %arg3[%mul3A_2] : memref<819200xi32, #tpu.memory_space<hbm>> -> memref<25600xi32, #tpu.memory_space<hbm>>
      tpu.wait_dma2 semaphore(%run_scoped3A : memref<!tpu.dma_semaphore, #tpu.memory_space<semaphore_mem>>) src(%dma_wait3A_125 : memref<25600xi32, #tpu.memory_space<hbm>>) dst(%arg5 : memref<25600xi32, #tpu.memory_space<vmem>>)
      tpu.yield
    }) : () -> ()
    %multiple_of3A = arith.constant 0 : i32
    %multiple_of3A_3 = tpu.assume_multiple %multiple_of3A, 128 : i32
    %dma_start3A = tpu.memref_slice %arg5[%multiple_of3A_3] : memref<25600xi32, #tpu.memory_space<vmem>> -> memref<128xi32, #tpu.memory_space<vmem>>
    %dma_start3A_4 = arith.constant 0 : i32
    %dma_start3A_5 = arith.constant 0 : i32
    %dma_start3A_6 = tpu.memref_slice %arg2[%dma_start3A_4, %dma_start3A_5] : memref<1000000x64xf32, #tpu.memory_space<hbm>> -> memref<1000000x64xf32, #tpu.memory_space<hbm>>
    tpu.enqueue_indirect_dma source(%dma_start3A_6 : memref<1000000x64xf32, #tpu.memory_space<hbm>>) target(%arg6 : memref<128x64xf32, #tpu.memory_space<vmem>>) offsets(%dma_start3A : memref<128xi32, #tpu.memory_space<vmem>>) semaphore(%arg10 : memref<!tpu.dma_semaphore, #tpu.memory_space<semaphore_mem>>)
    %multiple_of3A_7 = arith.constant 128 : i32
    %multiple_of3A_8 = tpu.assume_multiple %multiple_of3A_7, 128 : i32
    %dma_start3A_9 = tpu.memref_slice %arg5[%multiple_of3A_8] : memref<25600xi32, #tpu.memory_space<vmem>> -> memref<128xi32, #tpu.memory_space<vmem>>
    %dma_start3A_10 = arith.constant 0 : i32
    %dma_start3A_11 = arith.constant 0 : i32
    %dma_start3A_12 = tpu.memref_slice %arg2[%dma_start3A_10, %dma_start3A_11] : memref<1000000x64xf32, #tpu.memory_space<hbm>> -> memref<1000000x64xf32, #tpu.memory_space<hbm>>
    tpu.enqueue_indirect_dma source(%dma_start3A_12 : memref<1000000x64xf32, #tpu.memory_space<hbm>>) target(%arg7 : memref<128x64xf32, #tpu.memory_space<vmem>>) offsets(%dma_start3A_9 : memref<128xi32, #tpu.memory_space<vmem>>) semaphore(%arg11 : memref<!tpu.dma_semaphore, #tpu.memory_space<semaphore_mem>>)
    %dma_wait3A = arith.constant 0 : i32
    %dma_wait3A_13 = tpu.memref_slice %arg5[%dma_wait3A] : memref<25600xi32, #tpu.memory_space<vmem>> -> memref<128xi32, #tpu.memory_space<vmem>>
    %dma_wait3A_14 = arith.constant 0 : i32
    %dma_wait3A_15 = arith.constant 0 : i32
    %dma_wait3A_16 = tpu.memref_slice %arg2[%dma_wait3A_14, %dma_wait3A_15] : memref<1000000x64xf32, #tpu.memory_space<hbm>> -> memref<1000000x64xf32, #tpu.memory_space<hbm>>
    tpu.wait_indirect_dma semaphore(%arg10 : memref<!tpu.dma_semaphore, #tpu.memory_space<semaphore_mem>>) src(%dma_wait3A_16 : memref<1000000x64xf32, #tpu.memory_space<hbm>>) dst(%arg6 : memref<128x64xf32, #tpu.memory_space<vmem>>)
    %scan3A = arith.constant 0 : i32
    %scan3A_17 = arith.constant 8.000000e+00 : f32
    %scan3A_18 = arith.constant 0 : i32
    %scan3A_19 = arith.constant 128 : i32
    %scan3A_20 = arith.addi %scan3A_18, %scan3A_19 : i32
    %scan3A_21 = arith.constant 4 : i32
    scf.for %scan3A_122 = %scan3A_18 to %scan3A_20 step %scan3A_21  : i32 {
      %get3A = arith.index_cast %scan3A_122 : i32 to index
      %get3A_123 = arith.constant 0 : index
      %get3A_124 = tpu.vector_load %arg6[%get3A, %get3A_123] {strides = array<i32>} : memref<128x64xf32, #tpu.memory_space<vmem>>, vector<1x16xf32>,
      %get3A_125 = vector.shape_cast %get3A_124 : vector<1x16xf32> to vector<16xf32>
      %mul3A_126 = vector.broadcast %scan3A_17 : f32 to vector<16xf32>
      %mul3A_127 = arith.mulf %get3A_125, %mul3A_126 : vector<16xf32>
      %swap3A = arith.index_cast %scan3A_122 : i32 to index
      %swap3A_128 = arith.constant 0 : index
      %swap3A_129 = tpu.vector_load %arg8[%swap3A, %swap3A_128] {strides = array<i32>} : memref<128x64xf32, #tpu.memory_space<vmem>>, vector<1x16xf32>,
      %swap3A_130 = vector.shape_cast %swap3A_129 : vector<1x16xf32> to vector<16xf32>
      %swap3A_131 = vector.shape_cast %mul3A_127 : vector<16xf32> to vector<1x16xf32>
      tpu.vector_store %arg8[%swap3A, %swap3A_128], %swap3A_131 {strides = array<i32>} : memref<128x64xf32, #tpu.memory_space<vmem>>, vector<1x16xf32>,
      %get3A_132 = arith.index_cast %scan3A_122 : i32 to index
      %get3A_133 = arith.constant 16 : index
      %get3A_134 = tpu.vector_load %arg6[%get3A_132, %get3A_133] {strides = array<i32>} : memref<128x64xf32, #tpu.memory_space<vmem>>, vector<1x16xf32>,
      %get3A_135 = vector.shape_cast %get3A_134 : vector<1x16xf32> to vector<16xf32>
      %mul3A_136 = vector.broadcast %scan3A_17 : f32 to vector<16xf32>
      %mul3A_137 = arith.mulf %get3A_135, %mul3A_136 : vector<16xf32>
      %swap3A_138 = arith.index_cast %scan3A_122 : i32 to index
      %swap3A_139 = arith.constant 16 : index
      %swap3A_140 = tpu.vector_load %arg8[%swap3A_138, %swap3A_139] {strides = array<i32>} : memref<128x64xf32, #tpu.memory_space<vmem>>, vector<1x16xf32>,
      %swap3A_141 = vector.shape_cast %swap3A_140 : vector<1x16xf32> to vector<16xf32>
      %swap3A_142 = vector.shape_cast %mul3A_137 : vector<16xf32> to vector<1x16xf32>
      tpu.vector_store %arg8[%swap3A_138, %swap3A_139], %swap3A_142 {strides = array<i32>} : memref<128x64xf32, #tpu.memory_space<vmem>>, vector<1x16xf32>,
      %get3A_143 = arith.index_cast %scan3A_122 : i32 to index
      %get3A_144 = arith.constant 32 : index
      %get3A_145 = tpu.vector_load %arg6[%get3A_143, %get3A_144] {strides = array<i32>} : memref<128x64xf32, #tpu.memory_space<vmem>>, vector<1x16xf32>,
      %get3A_146 = vector.shape_cast %get3A_145 : vector<1x16xf32> to vector<16xf32>
      %mul3A_147 = vector.broadcast %scan3A_17 : f32 to vector<16xf32>
      %mul3A_148 = arith.mulf %get3A_146, %mul3A_147 : vector<16xf32>
      %swap3A_149 = arith.index_cast %scan3A_122 : i32 to index
      %swap3A_150 = arith.constant 32 : index
      %swap3A_151 = tpu.vector_load %arg8[%swap3A_149, %swap3A_150] {strides = array<i32>} : memref<128x64xf32, #tpu.memory_space<vmem>>, vector<1x16xf32>,
      %swap3A_152 = vector.shape_cast %swap3A_151 : vector<1x16xf32> to vector<16xf32>
      %swap3A_153 = vector.shape_cast %mul3A_148 : vector<16xf32> to vector<1x16xf32>
      tpu.vector_store %arg8[%swap3A_149, %swap3A_150], %swap3A_153 {strides = array<i32>} : memref<128x64xf32, #tpu.memory_space<vmem>>, vector<1x16xf32>,
      %get3A_154 = arith.index_cast %scan3A_122 : i32 to index
      %get3A_155 = arith.constant 48 : index
      %get3A_156 = tpu.vector_load %arg6[%get3A_154, %get3A_155] {strides = array<i32>} : memref<128x64xf32, #tpu.memory_space<vmem>>, vector<1x16xf32>,
      %get3A_157 = vector.shape_cast %get3A_156 : vector<1x16xf32> to vector<16xf32>
      %mul3A_158 = vector.broadcast %scan3A_17 : f32 to vector<16xf32>
      %mul3A_159 = arith.mulf %get3A_157, %mul3A_158 : vector<16xf32>
      %swap3A_160 = arith.index_cast %scan3A_122 : i32 to index
      %swap3A_161 = arith.constant 48 : index
      %swap3A_162 = tpu.vector_load %arg8[%swap3A_160, %swap3A_161] {strides = array<i32>} : memref<128x64xf32, #tpu.memory_space<vmem>>, vector<1x16xf32>,
      %swap3A_163 = vector.shape_cast %swap3A_162 : vector<1x16xf32> to vector<16xf32>
      %swap3A_164 = vector.shape_cast %mul3A_159 : vector<16xf32> to vector<1x16xf32>
      tpu.vector_store %arg8[%swap3A_160, %swap3A_161], %swap3A_164 {strides = array<i32>} : memref<128x64xf32, #tpu.memory_space<vmem>>, vector<1x16xf32>,
      %scan3A_165 = arith.constant 1 : i32
      %scan3A_166 = arith.addi %scan3A_122, %scan3A_165 : i32
      %get3A_167 = arith.index_cast %scan3A_166 : i32 to index
      %get3A_168 = arith.constant 0 : index
      %get3A_169 = tpu.vector_load %arg6[%get3A_167, %get3A_168] {strides = array<i32>} : memref<128x64xf32, #tpu.memory_space<vmem>>, vector<1x16xf32>,
      %get3A_170 = vector.shape_cast %get3A_169 : vector<1x16xf32> to vector<16xf32>
      %mul3A_171 = vector.broadcast %scan3A_17 : f32 to vector<16xf32>
      %mul3A_172 = arith.mulf %get3A_170, %mul3A_171 : vector<16xf32>
      %swap3A_173 = arith.index_cast %scan3A_166 : i32 to index
      %swap3A_174 = arith.constant 0 : index
      %swap3A_175 = tpu.vector_load %arg8[%swap3A_173, %swap3A_174] {strides = array<i32>} : memref<128x64xf32, #tpu.memory_space<vmem>>, vector<1x16xf32>,
      %swap3A_176 = vector.shape_cast %swap3A_175 : vector<1x16xf32> to vector<16xf32>
      %swap3A_177 = vector.shape_cast %mul3A_172 : vector<16xf32> to vector<1x16xf32>
      tpu.vector_store %arg8[%swap3A_173, %swap3A_174], %swap3A_177 {strides = array<i32>} : memref<128x64xf32, #tpu.memory_space<vmem>>, vector<1x16xf32>,
      %get3A_178 = arith.index_cast %scan3A_166 : i32 to index
      %get3A_179 = arith.constant 16 : index
      %get3A_180 = tpu.vector_load %arg6[%get3A_178, %get3A_179] {strides = array<i32>} : memref<128x64xf32, #tpu.memory_space<vmem>>, vector<1x16xf32>,
      %get3A_181 = vector.shape_cast %get3A_180 : vector<1x16xf32> to vector<16xf32>
      %mul3A_182 = vector.broadcast %scan3A_17 : f32 to vector<16xf32>
      %mul3A_183 = arith.mulf %get3A_181, %mul3A_182 : vector<16xf32>
      %swap3A_184 = arith.index_cast %scan3A_166 : i32 to index
      %swap3A_185 = arith.constant 16 : index
      %swap3A_186 = tpu.vector_load %arg8[%swap3A_184, %swap3A_185] {strides = array<i32>} : memref<128x64xf32, #tpu.memory_space<vmem>>, vector<1x16xf32>,
      %swap3A_187 = vector.shape_cast %swap3A_186 : vector<1x16xf32> to vector<16xf32>
      %swap3A_188 = vector.shape_cast %mul3A_183 : vector<16xf32> to vector<1x16xf32>
      tpu.vector_store %arg8[%swap3A_184, %swap3A_185], %swap3A_188 {strides = array<i32>} : memref<128x64xf32, #tpu.memory_space<vmem>>, vector<1x16xf32>,
      %get3A_189 = arith.index_cast %scan3A_166 : i32 to index
      %get3A_190 = arith.constant 32 : index
      %get3A_191 = tpu.vector_load %arg6[%get3A_189, %get3A_190] {strides = array<i32>} : memref<128x64xf32, #tpu.memory_space<vmem>>, vector<1x16xf32>,
      %get3A_192 = vector.shape_cast %get3A_191 : vector<1x16xf32> to vector<16xf32>
      %mul3A_193 = vector.broadcast %scan3A_17 : f32 to vector<16xf32>
      %mul3A_194 = arith.mulf %get3A_192, %mul3A_193 : vector<16xf32>
      %swap3A_195 = arith.index_cast %scan3A_166 : i32 to index
      %swap3A_196 = arith.constant 32 : index
      %swap3A_197 = tpu.vector_load %arg8[%swap3A_195, %swap3A_196] {strides = array<i32>} : memref<128x64xf32, #tpu.memory_space<vmem>>, vector<1x16xf32>,
      %swap3A_198 = vector.shape_cast %swap3A_197 : vector<1x16xf32> to vector<16xf32>
      %swap3A_199 = vector.shape_cast %mul3A_194 : vector<16xf32> to vector<1x16xf32>
      tpu.vector_store %arg8[%swap3A_195, %swap3A_196], %swap3A_199 {strides = array<i32>} : memref<128x64xf32, #tpu.memory_space<vmem>>, vector<1x16xf32>,
      %get3A_200 = arith.index_cast %scan3A_166 : i32 to index
      %get3A_201 = arith.constant 48 : index
      %get3A_202 = tpu.vector_load %arg6[%get3A_200, %get3A_201] {strides = array<i32>} : memref<128x64xf32, #tpu.memory_space<vmem>>, vector<1x16xf32>,
      %get3A_203 = vector.shape_cast %get3A_202 : vector<1x16xf32> to vector<16xf32>
      %mul3A_204 = vector.broadcast %scan3A_17 : f32 to vector<16xf32>
      %mul3A_205 = arith.mulf %get3A_203, %mul3A_204 : vector<16xf32>
      %swap3A_206 = arith.index_cast %scan3A_166 : i32 to index
      %swap3A_207 = arith.constant 48 : index
      %swap3A_208 = tpu.vector_load %arg8[%swap3A_206, %swap3A_207] {strides = array<i32>} : memref<128x64xf32, #tpu.memory_space<vmem>>, vector<1x16xf32>,
      %swap3A_209 = vector.shape_cast %swap3A_208 : vector<1x16xf32> to vector<16xf32>
      %swap3A_210 = vector.shape_cast %mul3A_205 : vector<16xf32> to vector<1x16xf32>
      tpu.vector_store %arg8[%swap3A_206, %swap3A_207], %swap3A_210 {strides = array<i32>} : memref<128x64xf32, #tpu.memory_space<vmem>>, vector<1x16xf32>,
      %scan3A_211 = arith.constant 2 : i32
      %scan3A_212 = arith.addi %scan3A_122, %scan3A_211 : i32
      %get3A_213 = arith.index_cast %scan3A_212 : i32 to index
      %get3A_214 = arith.constant 0 : index
      %get3A_215 = tpu.vector_load %arg6[%get3A_213, %get3A_214] {strides = array<i32>} : memref<128x64xf32, #tpu.memory_space<vmem>>, vector<1x16xf32>,
      %get3A_216 = vector.shape_cast %get3A_215 : vector<1x16xf32> to vector<16xf32>
      %mul3A_217 = vector.broadcast %scan3A_17 : f32 to vector<16xf32>
      %mul3A_218 = arith.mulf %get3A_216, %mul3A_217 : vector<16xf32>
      %swap3A_219 = arith.index_cast %scan3A_212 : i32 to index
      %swap3A_220 = arith.constant 0 : index
      %swap3A_221 = tpu.vector_load %arg8[%swap3A_219, %swap3A_220] {strides = array<i32>} : memref<128x64xf32, #tpu.memory_space<vmem>>, vector<1x16xf32>,
      %swap3A_222 = vector.shape_cast %swap3A_221 : vector<1x16xf32> to vector<16xf32>
      %swap3A_223 = vector.shape_cast %mul3A_218 : vector<16xf32> to vector<1x16xf32>
      tpu.vector_store %arg8[%swap3A_219, %swap3A_220], %swap3A_223 {strides = array<i32>} : memref<128x64xf32, #tpu.memory_space<vmem>>, vector<1x16xf32>,
      %get3A_224 = arith.index_cast %scan3A_212 : i32 to index
      %get3A_225 = arith.constant 16 : index
      %get3A_226 = tpu.vector_load %arg6[%get3A_224, %get3A_225] {strides = array<i32>} : memref<128x64xf32, #tpu.memory_space<vmem>>, vector<1x16xf32>,
      %get3A_227 = vector.shape_cast %get3A_226 : vector<1x16xf32> to vector<16xf32>
      %mul3A_228 = vector.broadcast %scan3A_17 : f32 to vector<16xf32>
      %mul3A_229 = arith.mulf %get3A_227, %mul3A_228 : vector<16xf32>
      %swap3A_230 = arith.index_cast %scan3A_212 : i32 to index
      %swap3A_231 = arith.constant 16 : index
      %swap3A_232 = tpu.vector_load %arg8[%swap3A_230, %swap3A_231] {strides = array<i32>} : memref<128x64xf32, #tpu.memory_space<vmem>>, vector<1x16xf32>,
      %swap3A_233 = vector.shape_cast %swap3A_232 : vector<1x16xf32> to vector<16xf32>
      %swap3A_234 = vector.shape_cast %mul3A_229 : vector<16xf32> to vector<1x16xf32>
      tpu.vector_store %arg8[%swap3A_230, %swap3A_231], %swap3A_234 {strides = array<i32>} : memref<128x64xf32, #tpu.memory_space<vmem>>, vector<1x16xf32>,
      %get3A_235 = arith.index_cast %scan3A_212 : i32 to index
      %get3A_236 = arith.constant 32 : index
      %get3A_237 = tpu.vector_load %arg6[%get3A_235, %get3A_236] {strides = array<i32>} : memref<128x64xf32, #tpu.memory_space<vmem>>, vector<1x16xf32>,
      %get3A_238 = vector.shape_cast %get3A_237 : vector<1x16xf32> to vector<16xf32>
      %mul3A_239 = vector.broadcast %scan3A_17 : f32 to vector<16xf32>
      %mul3A_240 = arith.mulf %get3A_238, %mul3A_239 : vector<16xf32>
      %swap3A_241 = arith.index_cast %scan3A_212 : i32 to index
      %swap3A_242 = arith.constant 32 : index
      %swap3A_243 = tpu.vector_load %arg8[%swap3A_241, %swap3A_242] {strides = array<i32>} : memref<128x64xf32, #tpu.memory_space<vmem>>, vector<1x16xf32>,
      %swap3A_244 = vector.shape_cast %swap3A_243 : vector<1x16xf32> to vector<16xf32>
      %swap3A_245 = vector.shape_cast %mul3A_240 : vector<16xf32> to vector<1x16xf32>
      tpu.vector_store %arg8[%swap3A_241, %swap3A_242], %swap3A_245 {strides = array<i32>} : memref<128x64xf32, #tpu.memory_space<vmem>>, vector<1x16xf32>,
      %get3A_246 = arith.index_cast %scan3A_212 : i32 to index
      %get3A_247 = arith.constant 48 : index
      %get3A_248 = tpu.vector_load %arg6[%get3A_246, %get3A_247] {strides = array<i32>} : memref<128x64xf32, #tpu.memory_space<vmem>>, vector<1x16xf32>,
      %get3A_249 = vector.shape_cast %get3A_248 : vector<1x16xf32> to vector<16xf32>
      %mul3A_250 = vector.broadcast %scan3A_17 : f32 to vector<16xf32>
      %mul3A_251 = arith.mulf %get3A_249, %mul3A_250 : vector<16xf32>
      %swap3A_252 = arith.index_cast %scan3A_212 : i32 to index
      %swap3A_253 = arith.constant 48 : index
      %swap3A_254 = tpu.vector_load %arg8[%swap3A_252, %swap3A_253] {strides = array<i32>} : memref<128x64xf32, #tpu.memory_space<vmem>>, vector<1x16xf32>,
      %swap3A_255 = vector.shape_cast %swap3A_254 : vector<1x16xf32> to vector<16xf32>
      %swap3A_256 = vector.shape_cast %mul3A_251 : vector<16xf32> to vector<1x16xf32>
      tpu.vector_store %arg8[%swap3A_252, %swap3A_253], %swap3A_256 {strides = array<i32>} : memref<128x64xf32, #tpu.memory_space<vmem>>, vector<1x16xf32>,
      %scan3A_257 = arith.constant 3 : i32
      %scan3A_258 = arith.addi %scan3A_122, %scan3A_257 : i32
      %get3A_259 = arith.index_cast %scan3A_258 : i32 to index
      %get3A_260 = arith.constant 0 : index
      %get3A_261 = tpu.vector_load %arg6[%get3A_259, %get3A_260] {strides = array<i32>} : memref<128x64xf32, #tpu.memory_space<vmem>>, vector<1x16xf32>,
      %get3A_262 = vector.shape_cast %get3A_261 : vector<1x16xf32> to vector<16xf32>
      %mul3A_263 = vector.broadcast %scan3A_17 : f32 to vector<16xf32>
      %mul3A_264 = arith.mulf %get3A_262, %mul3A_263 : vector<16xf32>
      %swap3A_265 = arith.index_cast %scan3A_258 : i32 to index
      %swap3A_266 = arith.constant 0 : index
      %swap3A_267 = tpu.vector_load %arg8[%swap3A_265, %swap3A_266] {strides = array<i32>} : memref<128x64xf32, #tpu.memory_space<vmem>>, vector<1x16xf32>,
      %swap3A_268 = vector.shape_cast %swap3A_267 : vector<1x16xf32> to vector<16xf32>
      %swap3A_269 = vector.shape_cast %mul3A_264 : vector<16xf32> to vector<1x16xf32>
      tpu.vector_store %arg8[%swap3A_265, %swap3A_266], %swap3A_269 {strides = array<i32>} : memref<128x64xf32, #tpu.memory_space<vmem>>, vector<1x16xf32>,
      %get3A_270 = arith.index_cast %scan3A_258 : i32 to index
      %get3A_271 = arith.constant 16 : index
      %get3A_272 = tpu.vector_load %arg6[%get3A_270, %get3A_271] {strides = array<i32>} : memref<128x64xf32, #tpu.memory_space<vmem>>, vector<1x16xf32>,
      %get3A_273 = vector.shape_cast %get3A_272 : vector<1x16xf32> to vector<16xf32>
      %mul3A_274 = vector.broadcast %scan3A_17 : f32 to vector<16xf32>
      %mul3A_275 = arith.mulf %get3A_273, %mul3A_274 : vector<16xf32>
      %swap3A_276 = arith.index_cast %scan3A_258 : i32 to index
      %swap3A_277 = arith.constant 16 : index
      %swap3A_278 = tpu.vector_load %arg8[%swap3A_276, %swap3A_277] {strides = array<i32>} : memref<128x64xf32, #tpu.memory_space<vmem>>, vector<1x16xf32>,
      %swap3A_279 = vector.shape_cast %swap3A_278 : vector<1x16xf32> to vector<16xf32>
      %swap3A_280 = vector.shape_cast %mul3A_275 : vector<16xf32> to vector<1x16xf32>
      tpu.vector_store %arg8[%swap3A_276, %swap3A_277], %swap3A_280 {strides = array<i32>} : memref<128x64xf32, #tpu.memory_space<vmem>>, vector<1x16xf32>,
      %get3A_281 = arith.index_cast %scan3A_258 : i32 to index
      %get3A_282 = arith.constant 32 : index
      %get3A_283 = tpu.vector_load %arg6[%get3A_281, %get3A_282] {strides = array<i32>} : memref<128x64xf32, #tpu.memory_space<vmem>>, vector<1x16xf32>,
      %get3A_284 = vector.shape_cast %get3A_283 : vector<1x16xf32> to vector<16xf32>
      %mul3A_285 = vector.broadcast %scan3A_17 : f32 to vector<16xf32>
      %mul3A_286 = arith.mulf %get3A_284, %mul3A_285 : vector<16xf32>
      %swap3A_287 = arith.index_cast %scan3A_258 : i32 to index
      %swap3A_288 = arith.constant 32 : index
      %swap3A_289 = tpu.vector_load %arg8[%swap3A_287, %swap3A_288] {strides = array<i32>} : memref<128x64xf32, #tpu.memory_space<vmem>>, vector<1x16xf32>,
      %swap3A_290 = vector.shape_cast %swap3A_289 : vector<1x16xf32> to vector<16xf32>
      %swap3A_291 = vector.shape_cast %mul3A_286 : vector<16xf32> to vector<1x16xf32>
      tpu.vector_store %arg8[%swap3A_287, %swap3A_288], %swap3A_291 {strides = array<i32>} : memref<128x64xf32, #tpu.memory_space<vmem>>, vector<1x16xf32>,
      %get3A_292 = arith.index_cast %scan3A_258 : i32 to index
      %get3A_293 = arith.constant 48 : index
      %get3A_294 = tpu.vector_load %arg6[%get3A_292, %get3A_293] {strides = array<i32>} : memref<128x64xf32, #tpu.memory_space<vmem>>, vector<1x16xf32>,
      %get3A_295 = vector.shape_cast %get3A_294 : vector<1x16xf32> to vector<16xf32>
      %mul3A_296 = vector.broadcast %scan3A_17 : f32 to vector<16xf32>
      %mul3A_297 = arith.mulf %get3A_295, %mul3A_296 : vector<16xf32>
      %swap3A_298 = arith.index_cast %scan3A_258 : i32 to index
      %swap3A_299 = arith.constant 48 : index
      %swap3A_300 = tpu.vector_load %arg8[%swap3A_298, %swap3A_299] {strides = array<i32>} : memref<128x64xf32, #tpu.memory_space<vmem>>, vector<1x16xf32>,
      %swap3A_301 = vector.shape_cast %swap3A_300 : vector<1x16xf32> to vector<16xf32>
      %swap3A_302 = vector.shape_cast %mul3A_297 : vector<16xf32> to vector<1x16xf32>
      tpu.vector_store %arg8[%swap3A_298, %swap3A_299], %swap3A_302 {strides = array<i32>} : memref<128x64xf32, #tpu.memory_space<vmem>>, vector<1x16xf32>,
    }
    %scan3A_22 = arith.constant 128 : i32
    %multiple_of3A_23 = arith.constant 256 : i32
    %multiple_of3A_24 = tpu.assume_multiple %multiple_of3A_23, 128 : i32
    %dma_start3A_25 = tpu.memref_slice %arg5[%multiple_of3A_24] : memref<25600xi32, #tpu.memory_space<vmem>> -> memref<128xi32, #tpu.memory_space<vmem>>
    %dma_start3A_26 = arith.constant 0 : i32
    %dma_start3A_27 = arith.constant 0 : i32
    %dma_start3A_28 = tpu.memref_slice %arg2[%dma_start3A_26, %dma_start3A_27] : memref<1000000x64xf32, #tpu.memory_space<hbm>> -> memref<1000000x64xf32, #tpu.memory_space<hbm>>
    tpu.enqueue_indirect_dma source(%dma_start3A_28 : memref<1000000x64xf32, #tpu.memory_space<hbm>>) target(%arg6 : memref<128x64xf32, #tpu.memory_space<vmem>>) offsets(%dma_start3A_25 : memref<128xi32, #tpu.memory_space<vmem>>) semaphore(%arg10 : memref<!tpu.dma_semaphore, #tpu.memory_space<semaphore_mem>>)
    %multiple_of3A_29 = arith.constant 0 : i32
    %multiple_of3A_30 = tpu.assume_multiple %multiple_of3A_29, 128 : i32
    %add3A_31 = arith.addi %mul3A_2, %multiple_of3A_30 : i32
    %dma_start3A_32 = arith.constant 0 : i32
    %dma_start3A_33 = tpu.memref_slice %arg4[%add3A_31, %dma_start3A_32] : memref<819200x64xf32, #tpu.memory_space<hbm>> -> memref<128x64xf32, #tpu.memory_space<hbm>>
    %dma_start3A_34 = arith.constant 0 : i32
    %dma_start3A_35 = tpu.memref_slice %arg4[%add3A_31, %dma_start3A_34] : memref<819200x64xf32, #tpu.memory_space<hbm>> -> memref<128x64xf32, #tpu.memory_space<hbm>>
    tpu.enqueue_dma source(%arg8 : memref<128x64xf32, #tpu.memory_space<vmem>>) target(%dma_start3A_35 : memref<128x64xf32, #tpu.memory_space<hbm>>) target_semaphore(%arg12 : memref<!tpu.dma_semaphore, #tpu.memory_space<semaphore_mem>>)
    %dma_wait3A_36 = arith.constant 0 : i32
    %dma_wait3A_37 = tpu.memref_slice %arg5[%dma_wait3A_36] : memref<25600xi32, #tpu.memory_space<vmem>> -> memref<128xi32, #tpu.memory_space<vmem>>
    %dma_wait3A_38 = arith.constant 0 : i32
    %dma_wait3A_39 = arith.constant 0 : i32
    %dma_wait3A_40 = tpu.memref_slice %arg2[%dma_wait3A_38, %dma_wait3A_39] : memref<1000000x64xf32, #tpu.memory_space<hbm>> -> memref<1000000x64xf32, #tpu.memory_space<hbm>>
    tpu.wait_indirect_dma semaphore(%arg11 : memref<!tpu.dma_semaphore, #tpu.memory_space<semaphore_mem>>) src(%dma_wait3A_40 : memref<1000000x64xf32, #tpu.memory_space<hbm>>) dst(%arg7 : memref<128x64xf32, #tpu.memory_space<vmem>>)
    %scan3A_41 = arith.constant 0 : i32
    %scan3A_42 = arith.constant 8.000000e+00 : f32
    %scan3A_43 = arith.constant 0 : i32
    %scan3A_44 = arith.constant 128 : i32
    %scan3A_45 = arith.addi %scan3A_43, %scan3A_44 : i32
    %scan3A_46 = arith.constant 4 : i32
    scf.for %scan3A_122 = %scan3A_43 to %scan3A_45 step %scan3A_46  : i32 {
      %get3A = arith.index_cast %scan3A_122 : i32 to index
      %get3A_123 = arith.constant 0 : index
      %get3A_124 = tpu.vector_load %arg7[%get3A, %get3A_123] {strides = array<i32>} : memref<128x64xf32, #tpu.memory_space<vmem>>, vector<1x16xf32>,
      %get3A_125 = vector.shape_cast %get3A_124 : vector<1x16xf32> to vector<16xf32>
      %mul3A_126 = vector.broadcast %scan3A_42 : f32 to vector<16xf32>
      %mul3A_127 = arith.mulf %get3A_125, %mul3A_126 : vector<16xf32>
      %swap3A = arith.index_cast %scan3A_122 : i32 to index
      %swap3A_128 = arith.constant 0 : index
      %swap3A_129 = tpu.vector_load %arg9[%swap3A, %swap3A_128] {strides = array<i32>} : memref<128x64xf32, #tpu.memory_space<vmem>>, vector<1x16xf32>,
      %swap3A_130 = vector.shape_cast %swap3A_129 : vector<1x16xf32> to vector<16xf32>
      %swap3A_131 = vector.shape_cast %mul3A_127 : vector<16xf32> to vector<1x16xf32>
      tpu.vector_store %arg9[%swap3A, %swap3A_128], %swap3A_131 {strides = array<i32>} : memref<128x64xf32, #tpu.memory_space<vmem>>, vector<1x16xf32>,
      %get3A_132 = arith.index_cast %scan3A_122 : i32 to index
      %get3A_133 = arith.constant 16 : index
      %get3A_134 = tpu.vector_load %arg7[%get3A_132, %get3A_133] {strides = array<i32>} : memref<128x64xf32, #tpu.memory_space<vmem>>, vector<1x16xf32>,
      %get3A_135 = vector.shape_cast %get3A_134 : vector<1x16xf32> to vector<16xf32>
      %mul3A_136 = vector.broadcast %scan3A_42 : f32 to vector<16xf32>
      %mul3A_137 = arith.mulf %get3A_135, %mul3A_136 : vector<16xf32>
      %swap3A_138 = arith.index_cast %scan3A_122 : i32 to index
      %swap3A_139 = arith.constant 16 : index
      %swap3A_140 = tpu.vector_load %arg9[%swap3A_138, %swap3A_139] {strides = array<i32>} : memref<128x64xf32, #tpu.memory_space<vmem>>, vector<1x16xf32>,
      %swap3A_141 = vector.shape_cast %swap3A_140 : vector<1x16xf32> to vector<16xf32>
      %swap3A_142 = vector.shape_cast %mul3A_137 : vector<16xf32> to vector<1x16xf32>
      tpu.vector_store %arg9[%swap3A_138, %swap3A_139], %swap3A_142 {strides = array<i32>} : memref<128x64xf32, #tpu.memory_space<vmem>>, vector<1x16xf32>,
      %get3A_143 = arith.index_cast %scan3A_122 : i32 to index
      %get3A_144 = arith.constant 32 : index
      %get3A_145 = tpu.vector_load %arg7[%get3A_143, %get3A_144] {strides = array<i32>} : memref<128x64xf32, #tpu.memory_space<vmem>>, vector<1x16xf32>,
      %get3A_146 = vector.shape_cast %get3A_145 : vector<1x16xf32> to vector<16xf32>
      %mul3A_147 = vector.broadcast %scan3A_42 : f32 to vector<16xf32>
      %mul3A_148 = arith.mulf %get3A_146, %mul3A_147 : vector<16xf32>
      %swap3A_149 = arith.index_cast %scan3A_122 : i32 to index
      %swap3A_150 = arith.constant 32 : index
      %swap3A_151 = tpu.vector_load %arg9[%swap3A_149, %swap3A_150] {strides = array<i32>} : memref<128x64xf32, #tpu.memory_space<vmem>>, vector<1x16xf32>,
      %swap3A_152 = vector.shape_cast %swap3A_151 : vector<1x16xf32> to vector<16xf32>
      %swap3A_153 = vector.shape_cast %mul3A_148 : vector<16xf32> to vector<1x16xf32>
      tpu.vector_store %arg9[%swap3A_149, %swap3A_150], %swap3A_153 {strides = array<i32>} : memref<128x64xf32, #tpu.memory_space<vmem>>, vector<1x16xf32>,
      %get3A_154 = arith.index_cast %scan3A_122 : i32 to index
      %get3A_155 = arith.constant 48 : index
      %get3A_156 = tpu.vector_load %arg7[%get3A_154, %get3A_155] {strides = array<i32>} : memref<128x64xf32, #tpu.memory_space<vmem>>, vector<1x16xf32>,
      %get3A_157 = vector.shape_cast %get3A_156 : vector<1x16xf32> to vector<16xf32>
      %mul3A_158 = vector.broadcast %scan3A_42 : f32 to vector<16xf32>
      %mul3A_159 = arith.mulf %get3A_157, %mul3A_158 : vector<16xf32>
      %swap3A_160 = arith.index_cast %scan3A_122 : i32 to index
      %swap3A_161 = arith.constant 48 : index
      %swap3A_162 = tpu.vector_load %arg9[%swap3A_160, %swap3A_161] {strides = array<i32>} : memref<128x64xf32, #tpu.memory_space<vmem>>, vector<1x16xf32>,
      %swap3A_163 = vector.shape_cast %swap3A_162 : vector<1x16xf32> to vector<16xf32>
      %swap3A_164 = vector.shape_cast %mul3A_159 : vector<16xf32> to vector<1x16xf32>
      tpu.vector_store %arg9[%swap3A_160, %swap3A_161], %swap3A_164 {strides = array<i32>} : memref<128x64xf32, #tpu.memory_space<vmem>>, vector<1x16xf32>,
      %scan3A_165 = arith.constant 1 : i32
      %scan3A_166 = arith.addi %scan3A_122, %scan3A_165 : i32
      %get3A_167 = arith.index_cast %scan3A_166 : i32 to index
      %get3A_168 = arith.constant 0 : index
      %get3A_169 = tpu.vector_load %arg7[%get3A_167, %get3A_168] {strides = array<i32>} : memref<128x64xf32, #tpu.memory_space<vmem>>, vector<1x16xf32>,
      %get3A_170 = vector.shape_cast %get3A_169 : vector<1x16xf32> to vector<16xf32>
      %mul3A_171 = vector.broadcast %scan3A_42 : f32 to vector<16xf32>
      %mul3A_172 = arith.mulf %get3A_170, %mul3A_171 : vector<16xf32>
      %swap3A_173 = arith.index_cast %scan3A_166 : i32 to index
      %swap3A_174 = arith.constant 0 : index
      %swap3A_175 = tpu.vector_load %arg9[%swap3A_173, %swap3A_174] {strides = array<i32>} : memref<128x64xf32, #tpu.memory_space<vmem>>, vector<1x16xf32>,
      %swap3A_176 = vector.shape_cast %swap3A_175 : vector<1x16xf32> to vector<16xf32>
      %swap3A_177 = vector.shape_cast %mul3A_172 : vector<16xf32> to vector<1x16xf32>
      tpu.vector_store %arg9[%swap3A_173, %swap3A_174], %swap3A_177 {strides = array<i32>} : memref<128x64xf32, #tpu.memory_space<vmem>>, vector<1x16xf32>,
      %get3A_178 = arith.index_cast %scan3A_166 : i32 to index
      %get3A_179 = arith.constant 16 : index
      %get3A_180 = tpu.vector_load %arg7[%get3A_178, %get3A_179] {strides = array<i32>} : memref<128x64xf32, #tpu.memory_space<vmem>>, vector<1x16xf32>,
      %get3A_181 = vector.shape_cast %get3A_180 : vector<1x16xf32> to vector<16xf32>
      %mul3A_182 = vector.broadcast %scan3A_42 : f32 to vector<16xf32>
      %mul3A_183 = arith.mulf %get3A_181, %mul3A_182 : vector<16xf32>
      %swap3A_184 = arith.index_cast %scan3A_166 : i32 to index
      %swap3A_185 = arith.constant 16 : index
      %swap3A_186 = tpu.vector_load %arg9[%swap3A_184, %swap3A_185] {strides = array<i32>} : memref<128x64xf32, #tpu.memory_space<vmem>>, vector<1x16xf32>,
      %swap3A_187 = vector.shape_cast %swap3A_186 : vector<1x16xf32> to vector<16xf32>
      %swap3A_188 = vector.shape_cast %mul3A_183 : vector<16xf32> to vector<1x16xf32>
      tpu.vector_store %arg9[%swap3A_184, %swap3A_185], %swap3A_188 {strides = array<i32>} : memref<128x64xf32, #tpu.memory_space<vmem>>, vector<1x16xf32>,
      %get3A_189 = arith.index_cast %scan3A_166 : i32 to index
      %get3A_190 = arith.constant 32 : index
      %get3A_191 = tpu.vector_load %arg7[%get3A_189, %get3A_190] {strides = array<i32>} : memref<128x64xf32, #tpu.memory_space<vmem>>, vector<1x16xf32>,
      %get3A_192 = vector.shape_cast %get3A_191 : vector<1x16xf32> to vector<16xf32>
      %mul3A_193 = vector.broadcast %scan3A_42 : f32 to vector<16xf32>
      %mul3A_194 = arith.mulf %get3A_192, %mul3A_193 : vector<16xf32>
      %swap3A_195 = arith.index_cast %scan3A_166 : i32 to index
      %swap3A_196 = arith.constant 32 : index
      %swap3A_197 = tpu.vector_load %arg9[%swap3A_195, %swap3A_196] {strides = array<i32>} : memref<128x64xf32, #tpu.memory_space<vmem>>, vector<1x16xf32>,
      %swap3A_198 = vector.shape_cast %swap3A_197 : vector<1x16xf32> to vector<16xf32>
      %swap3A_199 = vector.shape_cast %mul3A_194 : vector<16xf32> to vector<1x16xf32>
      tpu.vector_store %arg9[%swap3A_195, %swap3A_196], %swap3A_199 {strides = array<i32>} : memref<128x64xf32, #tpu.memory_space<vmem>>, vector<1x16xf32>,
      %get3A_200 = arith.index_cast %scan3A_166 : i32 to index
      %get3A_201 = arith.constant 48 : index
      %get3A_202 = tpu.vector_load %arg7[%get3A_200, %get3A_201] {strides = array<i32>} : memref<128x64xf32, #tpu.memory_space<vmem>>, vector<1x16xf32>,
      %get3A_203 = vector.shape_cast %get3A_202 : vector<1x16xf32> to vector<16xf32>
      %mul3A_204 = vector.broadcast %scan3A_42 : f32 to vector<16xf32>
      %mul3A_205 = arith.mulf %get3A_203, %mul3A_204 : vector<16xf32>
      %swap3A_206 = arith.index_cast %scan3A_166 : i32 to index
      %swap3A_207 = arith.constant 48 : index
      %swap3A_208 = tpu.vector_load %arg9[%swap3A_206, %swap3A_207] {strides = array<i32>} : memref<128x64xf32, #tpu.memory_space<vmem>>, vector<1x16xf32>,
      %swap3A_209 = vector.shape_cast %swap3A_208 : vector<1x16xf32> to vector<16xf32>
      %swap3A_210 = vector.shape_cast %mul3A_205 : vector<16xf32> to vector<1x16xf32>
      tpu.vector_store %arg9[%swap3A_206, %swap3A_207], %swap3A_210 {strides = array<i32>} : memref<128x64xf32, #tpu.memory_space<vmem>>, vector<1x16xf32>,
      %scan3A_211 = arith.constant 2 : i32
      %scan3A_212 = arith.addi %scan3A_122, %scan3A_211 : i32
      %get3A_213 = arith.index_cast %scan3A_212 : i32 to index
      %get3A_214 = arith.constant 0 : index
      %get3A_215 = tpu.vector_load %arg7[%get3A_213, %get3A_214] {strides = array<i32>} : memref<128x64xf32, #tpu.memory_space<vmem>>, vector<1x16xf32>,
      %get3A_216 = vector.shape_cast %get3A_215 : vector<1x16xf32> to vector<16xf32>
      %mul3A_217 = vector.broadcast %scan3A_42 : f32 to vector<16xf32>
      %mul3A_218 = arith.mulf %get3A_216, %mul3A_217 : vector<16xf32>
      %swap3A_219 = arith.index_cast %scan3A_212 : i32 to index
      %swap3A_220 = arith.constant 0 : index
      %swap3A_221 = tpu.vector_load %arg9[%swap3A_219, %swap3A_220] {strides = array<i32>} : memref<128x64xf32, #tpu.memory_space<vmem>>, vector<1x16xf32>,
      %swap3A_222 = vector.shape_cast %swap3A_221 : vector<1x16xf32> to vector<16xf32>
      %swap3A_223 = vector.shape_cast %mul3A_218 : vector<16xf32> to vector<1x16xf32>
      tpu.vector_store %arg9[%swap3A_219, %swap3A_220], %swap3A_223 {strides = array<i32>} : memref<128x64xf32, #tpu.memory_space<vmem>>, vector<1x16xf32>,
      %get3A_224 = arith.index_cast %scan3A_212 : i32 to index
      %get3A_225 = arith.constant 16 : index
      %get3A_226 = tpu.vector_load %arg7[%get3A_224, %get3A_225] {strides = array<i32>} : memref<128x64xf32, #tpu.memory_space<vmem>>, vector<1x16xf32>,
      %get3A_227 = vector.shape_cast %get3A_226 : vector<1x16xf32> to vector<16xf32>
      %mul3A_228 = vector.broadcast %scan3A_42 : f32 to vector<16xf32>
      %mul3A_229 = arith.mulf %get3A_227, %mul3A_228 : vector<16xf32>
      %swap3A_230 = arith.index_cast %scan3A_212 : i32 to index
      %swap3A_231 = arith.constant 16 : index
      %swap3A_232 = tpu.vector_load %arg9[%swap3A_230, %swap3A_231] {strides = array<i32>} : memref<128x64xf32, #tpu.memory_space<vmem>>, vector<1x16xf32>,
      %swap3A_233 = vector.shape_cast %swap3A_232 : vector<1x16xf32> to vector<16xf32>
      %swap3A_234 = vector.shape_cast %mul3A_229 : vector<16xf32> to vector<1x16xf32>
      tpu.vector_store %arg9[%swap3A_230, %swap3A_231], %swap3A_234 {strides = array<i32>} : memref<128x64xf32, #tpu.memory_space<vmem>>, vector<1x16xf32>,
      %get3A_235 = arith.index_cast %scan3A_212 : i32 to index
      %get3A_236 = arith.constant 32 : index
      %get3A_237 = tpu.vector_load %arg7[%get3A_235, %get3A_236] {strides = array<i32>} : memref<128x64xf32, #tpu.memory_space<vmem>>, vector<1x16xf32>,
      %get3A_238 = vector.shape_cast %get3A_237 : vector<1x16xf32> to vector<16xf32>
      %mul3A_239 = vector.broadcast %scan3A_42 : f32 to vector<16xf32>
      %mul3A_240 = arith.mulf %get3A_238, %mul3A_239 : vector<16xf32>
      %swap3A_241 = arith.index_cast %scan3A_212 : i32 to index
      %swap3A_242 = arith.constant 32 : index
      %swap3A_243 = tpu.vector_load %arg9[%swap3A_241, %swap3A_242] {strides = array<i32>} : memref<128x64xf32, #tpu.memory_space<vmem>>, vector<1x16xf32>,
      %swap3A_244 = vector.shape_cast %swap3A_243 : vector<1x16xf32> to vector<16xf32>
      %swap3A_245 = vector.shape_cast %mul3A_240 : vector<16xf32> to vector<1x16xf32>
      tpu.vector_store %arg9[%swap3A_241, %swap3A_242], %swap3A_245 {strides = array<i32>} : memref<128x64xf32, #tpu.memory_space<vmem>>, vector<1x16xf32>,
      %get3A_246 = arith.index_cast %scan3A_212 : i32 to index
      %get3A_247 = arith.constant 48 : index
      %get3A_248 = tpu.vector_load %arg7[%get3A_246, %get3A_247] {strides = array<i32>} : memref<128x64xf32, #tpu.memory_space<vmem>>, vector<1x16xf32>,
      %get3A_249 = vector.shape_cast %get3A_248 : vector<1x16xf32> to vector<16xf32>
      %mul3A_250 = vector.broadcast %scan3A_42 : f32 to vector<16xf32>
      %mul3A_251 = arith.mulf %get3A_249, %mul3A_250 : vector<16xf32>
      %swap3A_252 = arith.index_cast %scan3A_212 : i32 to index
      %swap3A_253 = arith.constant 48 : index
      %swap3A_254 = tpu.vector_load %arg9[%swap3A_252, %swap3A_253] {strides = array<i32>} : memref<128x64xf32, #tpu.memory_space<vmem>>, vector<1x16xf32>,
      %swap3A_255 = vector.shape_cast %swap3A_254 : vector<1x16xf32> to vector<16xf32>
      %swap3A_256 = vector.shape_cast %mul3A_251 : vector<16xf32> to vector<1x16xf32>
      tpu.vector_store %arg9[%swap3A_252, %swap3A_253], %swap3A_256 {strides = array<i32>} : memref<128x64xf32, #tpu.memory_space<vmem>>, vector<1x16xf32>,
      %scan3A_257 = arith.constant 3 : i32
      %scan3A_258 = arith.addi %scan3A_122, %scan3A_257 : i32
      %get3A_259 = arith.index_cast %scan3A_258 : i32 to index
      %get3A_260 = arith.constant 0 : index
      %get3A_261 = tpu.vector_load %arg7[%get3A_259, %get3A_260] {strides = array<i32>} : memref<128x64xf32, #tpu.memory_space<vmem>>, vector<1x16xf32>,
      %get3A_262 = vector.shape_cast %get3A_261 : vector<1x16xf32> to vector<16xf32>
      %mul3A_263 = vector.broadcast %scan3A_42 : f32 to vector<16xf32>
      %mul3A_264 = arith.mulf %get3A_262, %mul3A_263 : vector<16xf32>
      %swap3A_265 = arith.index_cast %scan3A_258 : i32 to index
      %swap3A_266 = arith.constant 0 : index
      %swap3A_267 = tpu.vector_load %arg9[%swap3A_265, %swap3A_266] {strides = array<i32>} : memref<128x64xf32, #tpu.memory_space<vmem>>, vector<1x16xf32>,
      %swap3A_268 = vector.shape_cast %swap3A_267 : vector<1x16xf32> to vector<16xf32>
      %swap3A_269 = vector.shape_cast %mul3A_264 : vector<16xf32> to vector<1x16xf32>
      tpu.vector_store %arg9[%swap3A_265, %swap3A_266], %swap3A_269 {strides = array<i32>} : memref<128x64xf32, #tpu.memory_space<vmem>>, vector<1x16xf32>,
      %get3A_270 = arith.index_cast %scan3A_258 : i32 to index
      %get3A_271 = arith.constant 16 : index
      %get3A_272 = tpu.vector_load %arg7[%get3A_270, %get3A_271] {strides = array<i32>} : memref<128x64xf32, #tpu.memory_space<vmem>>, vector<1x16xf32>,
      %get3A_273 = vector.shape_cast %get3A_272 : vector<1x16xf32> to vector<16xf32>
      %mul3A_274 = vector.broadcast %scan3A_42 : f32 to vector<16xf32>
      %mul3A_275 = arith.mulf %get3A_273, %mul3A_274 : vector<16xf32>
      %swap3A_276 = arith.index_cast %scan3A_258 : i32 to index
      %swap3A_277 = arith.constant 16 : index
      %swap3A_278 = tpu.vector_load %arg9[%swap3A_276, %swap3A_277] {strides = array<i32>} : memref<128x64xf32, #tpu.memory_space<vmem>>, vector<1x16xf32>,
      %swap3A_279 = vector.shape_cast %swap3A_278 : vector<1x16xf32> to vector<16xf32>
      %swap3A_280 = vector.shape_cast %mul3A_275 : vector<16xf32> to vector<1x16xf32>
      tpu.vector_store %arg9[%swap3A_276, %swap3A_277], %swap3A_280 {strides = array<i32>} : memref<128x64xf32, #tpu.memory_space<vmem>>, vector<1x16xf32>,
      %get3A_281 = arith.index_cast %scan3A_258 : i32 to index
      %get3A_282 = arith.constant 32 : index
      %get3A_283 = tpu.vector_load %arg7[%get3A_281, %get3A_282] {strides = array<i32>} : memref<128x64xf32, #tpu.memory_space<vmem>>, vector<1x16xf32>,
      %get3A_284 = vector.shape_cast %get3A_283 : vector<1x16xf32> to vector<16xf32>
      %mul3A_285 = vector.broadcast %scan3A_42 : f32 to vector<16xf32>
      %mul3A_286 = arith.mulf %get3A_284, %mul3A_285 : vector<16xf32>
      %swap3A_287 = arith.index_cast %scan3A_258 : i32 to index
      %swap3A_288 = arith.constant 32 : index
      %swap3A_289 = tpu.vector_load %arg9[%swap3A_287, %swap3A_288] {strides = array<i32>} : memref<128x64xf32, #tpu.memory_space<vmem>>, vector<1x16xf32>,
      %swap3A_290 = vector.shape_cast %swap3A_289 : vector<1x16xf32> to vector<16xf32>
      %swap3A_291 = vector.shape_cast %mul3A_286 : vector<16xf32> to vector<1x16xf32>
      tpu.vector_store %arg9[%swap3A_287, %swap3A_288], %swap3A_291 {strides = array<i32>} : memref<128x64xf32, #tpu.memory_space<vmem>>, vector<1x16xf32>,
      %get3A_292 = arith.index_cast %scan3A_258 : i32 to index
      %get3A_293 = arith.constant 48 : index
      %get3A_294 = tpu.vector_load %arg7[%get3A_292, %get3A_293] {strides = array<i32>} : memref<128x64xf32, #tpu.memory_space<vmem>>, vector<1x16xf32>,
      %get3A_295 = vector.shape_cast %get3A_294 : vector<1x16xf32> to vector<16xf32>
      %mul3A_296 = vector.broadcast %scan3A_42 : f32 to vector<16xf32>
      %mul3A_297 = arith.mulf %get3A_295, %mul3A_296 : vector<16xf32>
      %swap3A_298 = arith.index_cast %scan3A_258 : i32 to index
      %swap3A_299 = arith.constant 48 : index
      %swap3A_300 = tpu.vector_load %arg9[%swap3A_298, %swap3A_299] {strides = array<i32>} : memref<128x64xf32, #tpu.memory_space<vmem>>, vector<1x16xf32>,
      %swap3A_301 = vector.shape_cast %swap3A_300 : vector<1x16xf32> to vector<16xf32>
      %swap3A_302 = vector.shape_cast %mul3A_297 : vector<16xf32> to vector<1x16xf32>
      tpu.vector_store %arg9[%swap3A_298, %swap3A_299], %swap3A_302 {strides = array<i32>} : memref<128x64xf32, #tpu.memory_space<vmem>>, vector<1x16xf32>,
    }
    %scan3A_47 = arith.constant 128 : i32
    %multiple_of3A_48 = arith.constant 384 : i32
    %multiple_of3A_49 = tpu.assume_multiple %multiple_of3A_48, 128 : i32
    %dma_start3A_50 = tpu.memref_slice %arg5[%multiple_of3A_49] : memref<25600xi32, #tpu.memory_space<vmem>> -> memref<128xi32, #tpu.memory_space<vmem>>
    %dma_start3A_51 = arith.constant 0 : i32
    %dma_start3A_52 = arith.constant 0 : i32
    %dma_start3A_53 = tpu.memref_slice %arg2[%dma_start3A_51, %dma_start3A_52] : memref<1000000x64xf32, #tpu.memory_space<hbm>> -> memref<1000000x64xf32, #tpu.memory_space<hbm>>
    tpu.enqueue_indirect_dma source(%dma_start3A_53 : memref<1000000x64xf32, #tpu.memory_space<hbm>>) target(%arg7 : memref<128x64xf32, #tpu.memory_space<vmem>>) offsets(%dma_start3A_50 : memref<128xi32, #tpu.memory_space<vmem>>) semaphore(%arg11 : memref<!tpu.dma_semaphore, #tpu.memory_space<semaphore_mem>>)
    %multiple_of3A_54 = arith.constant 128 : i32
    %multiple_of3A_55 = tpu.assume_multiple %multiple_of3A_54, 128 : i32
    %add3A_56 = arith.addi %mul3A_2, %multiple_of3A_55 : i32
    %dma_start3A_57 = arith.constant 0 : i32
    %dma_start3A_58 = tpu.memref_slice %arg4[%add3A_56, %dma_start3A_57] : memref<819200x64xf32, #tpu.memory_space<hbm>> -> memref<128x64xf32, #tpu.memory_space<hbm>>
    %dma_start3A_59 = arith.constant 0 : i32
    %dma_start3A_60 = tpu.memref_slice %arg4[%add3A_56, %dma_start3A_59] : memref<819200x64xf32, #tpu.memory_space<hbm>> -> memref<128x64xf32, #tpu.memory_space<hbm>>
    tpu.enqueue_dma source(%arg9 : memref<128x64xf32, #tpu.memory_space<vmem>>) target(%dma_start3A_60 : memref<128x64xf32, #tpu.memory_space<hbm>>) target_semaphore(%arg13 : memref<!tpu.dma_semaphore, #tpu.memory_space<semaphore_mem>>)
    %scan3A_61 = arith.constant 0 : i32
    %scan3A_62 = arith.constant 8.000000e+00 : f32
    %scan3A_63 = arith.constant 1 : i32
    %scan3A_64 = arith.constant 98 : i32
    %scan3A_65 = arith.addi %scan3A_63, %scan3A_64 : i32
    %scan3A_66 = arith.constant 1 : i32
    scf.for %scan3A_122 = %scan3A_63 to %scan3A_65 step %scan3A_66  : i32 {
      %mul3A_123 = arith.constant 2 : i32
      %mul3A_124 = arith.muli %scan3A_122, %mul3A_123 : i32
      %add3A_125 = arith.constant 0 : i32
      %add3A_126 = arith.addi %mul3A_124, %add3A_125 : i32
      %dma_wait3A_127 = arith.constant 0 : i32
      %dma_wait3A_128 = tpu.memref_slice %arg5[%dma_wait3A_127] : memref<25600xi32, #tpu.memory_space<vmem>> -> memref<128xi32, #tpu.memory_space<vmem>>
      %dma_wait3A_129 = arith.constant 0 : i32
      %dma_wait3A_130 = arith.constant 0 : i32
      %dma_wait3A_131 = tpu.memref_slice %arg2[%dma_wait3A_129, %dma_wait3A_130] : memref<1000000x64xf32, #tpu.memory_space<hbm>> -> memref<1000000x64xf32, #tpu.memory_space<hbm>>
      tpu.wait_indirect_dma semaphore(%arg10 : memref<!tpu.dma_semaphore, #tpu.memory_space<semaphore_mem>>) src(%dma_wait3A_131 : memref<1000000x64xf32, #tpu.memory_space<hbm>>) dst(%arg6 : memref<128x64xf32, #tpu.memory_space<vmem>>)
      %dma_wait3A_132 = arith.constant 0 : i32
      %dma_wait3A_133 = tpu.memref_slice %arg4[%mul3A_2, %dma_wait3A_132] : memref<819200x64xf32, #tpu.memory_space<hbm>> -> memref<128x64xf32, #tpu.memory_space<hbm>>
      %dma_wait3A_134 = arith.constant 0 : i32
      %dma_wait3A_135 = tpu.memref_slice %arg4[%mul3A_2, %dma_wait3A_134] : memref<819200x64xf32, #tpu.memory_space<hbm>> -> memref<128x64xf32, #tpu.memory_space<hbm>>
      tpu.wait_dma2 semaphore(%arg12 : memref<!tpu.dma_semaphore, #tpu.memory_space<semaphore_mem>>) src(%arg8 : memref<128x64xf32, #tpu.memory_space<vmem>>) dst(%dma_wait3A_135 : memref<128x64xf32, #tpu.memory_space<hbm>>)
      %scan3A_136 = arith.constant 0 : i32
      %scan3A_137 = arith.constant 0 : i32
      %scan3A_138 = arith.constant 128 : i32
      %scan3A_139 = arith.addi %scan3A_137, %scan3A_138 : i32
      %scan3A_140 = arith.constant 4 : i32
      scf.for %scan3A_193 = %scan3A_137 to %scan3A_139 step %scan3A_140  : i32 {
        %get3A = arith.index_cast %scan3A_193 : i32 to index
        %get3A_194 = arith.constant 0 : index
        %get3A_195 = tpu.vector_load %arg6[%get3A, %get3A_194] {strides = array<i32>} : memref<128x64xf32, #tpu.memory_space<vmem>>, vector<1x16xf32>,
        %get3A_196 = vector.shape_cast %get3A_195 : vector<1x16xf32> to vector<16xf32>
        %mul3A_197 = vector.broadcast %scan3A_62 : f32 to vector<16xf32>
        %mul3A_198 = arith.mulf %get3A_196, %mul3A_197 : vector<16xf32>
        %swap3A = arith.index_cast %scan3A_193 : i32 to index
        %swap3A_199 = arith.constant 0 : index
        %swap3A_200 = tpu.vector_load %arg8[%swap3A, %swap3A_199] {strides = array<i32>} : memref<128x64xf32, #tpu.memory_space<vmem>>, vector<1x16xf32>,
        %swap3A_201 = vector.shape_cast %swap3A_200 : vector<1x16xf32> to vector<16xf32>
        %swap3A_202 = vector.shape_cast %mul3A_198 : vector<16xf32> to vector<1x16xf32>
        tpu.vector_store %arg8[%swap3A, %swap3A_199], %swap3A_202 {strides = array<i32>} : memref<128x64xf32, #tpu.memory_space<vmem>>, vector<1x16xf32>,
        %get3A_203 = arith.index_cast %scan3A_193 : i32 to index
        %get3A_204 = arith.constant 16 : index
        %get3A_205 = tpu.vector_load %arg6[%get3A_203, %get3A_204] {strides = array<i32>} : memref<128x64xf32, #tpu.memory_space<vmem>>, vector<1x16xf32>,
        %get3A_206 = vector.shape_cast %get3A_205 : vector<1x16xf32> to vector<16xf32>
        %mul3A_207 = vector.broadcast %scan3A_62 : f32 to vector<16xf32>
        %mul3A_208 = arith.mulf %get3A_206, %mul3A_207 : vector<16xf32>
        %swap3A_209 = arith.index_cast %scan3A_193 : i32 to index
        %swap3A_210 = arith.constant 16 : index
        %swap3A_211 = tpu.vector_load %arg8[%swap3A_209, %swap3A_210] {strides = array<i32>} : memref<128x64xf32, #tpu.memory_space<vmem>>, vector<1x16xf32>,
        %swap3A_212 = vector.shape_cast %swap3A_211 : vector<1x16xf32> to vector<16xf32>
        %swap3A_213 = vector.shape_cast %mul3A_208 : vector<16xf32> to vector<1x16xf32>
        tpu.vector_store %arg8[%swap3A_209, %swap3A_210], %swap3A_213 {strides = array<i32>} : memref<128x64xf32, #tpu.memory_space<vmem>>, vector<1x16xf32>,
        %get3A_214 = arith.index_cast %scan3A_193 : i32 to index
        %get3A_215 = arith.constant 32 : index
        %get3A_216 = tpu.vector_load %arg6[%get3A_214, %get3A_215] {strides = array<i32>} : memref<128x64xf32, #tpu.memory_space<vmem>>, vector<1x16xf32>,
        %get3A_217 = vector.shape_cast %get3A_216 : vector<1x16xf32> to vector<16xf32>
        %mul3A_218 = vector.broadcast %scan3A_62 : f32 to vector<16xf32>
        %mul3A_219 = arith.mulf %get3A_217, %mul3A_218 : vector<16xf32>
        %swap3A_220 = arith.index_cast %scan3A_193 : i32 to index
        %swap3A_221 = arith.constant 32 : index
        %swap3A_222 = tpu.vector_load %arg8[%swap3A_220, %swap3A_221] {strides = array<i32>} : memref<128x64xf32, #tpu.memory_space<vmem>>, vector<1x16xf32>,
        %swap3A_223 = vector.shape_cast %swap3A_222 : vector<1x16xf32> to vector<16xf32>
        %swap3A_224 = vector.shape_cast %mul3A_219 : vector<16xf32> to vector<1x16xf32>
        tpu.vector_store %arg8[%swap3A_220, %swap3A_221], %swap3A_224 {strides = array<i32>} : memref<128x64xf32, #tpu.memory_space<vmem>>, vector<1x16xf32>,
        %get3A_225 = arith.index_cast %scan3A_193 : i32 to index
        %get3A_226 = arith.constant 48 : index
        %get3A_227 = tpu.vector_load %arg6[%get3A_225, %get3A_226] {strides = array<i32>} : memref<128x64xf32, #tpu.memory_space<vmem>>, vector<1x16xf32>,
        %get3A_228 = vector.shape_cast %get3A_227 : vector<1x16xf32> to vector<16xf32>
        %mul3A_229 = vector.broadcast %scan3A_62 : f32 to vector<16xf32>
        %mul3A_230 = arith.mulf %get3A_228, %mul3A_229 : vector<16xf32>
        %swap3A_231 = arith.index_cast %scan3A_193 : i32 to index
        %swap3A_232 = arith.constant 48 : index
        %swap3A_233 = tpu.vector_load %arg8[%swap3A_231, %swap3A_232] {strides = array<i32>} : memref<128x64xf32, #tpu.memory_space<vmem>>, vector<1x16xf32>,
        %swap3A_234 = vector.shape_cast %swap3A_233 : vector<1x16xf32> to vector<16xf32>
        %swap3A_235 = vector.shape_cast %mul3A_230 : vector<16xf32> to vector<1x16xf32>
        tpu.vector_store %arg8[%swap3A_231, %swap3A_232], %swap3A_235 {strides = array<i32>} : memref<128x64xf32, #tpu.memory_space<vmem>>, vector<1x16xf32>,
        %scan3A_236 = arith.constant 1 : i32
        %scan3A_237 = arith.addi %scan3A_193, %scan3A_236 : i32
        %get3A_238 = arith.index_cast %scan3A_237 : i32 to index
        %get3A_239 = arith.constant 0 : index
        %get3A_240 = tpu.vector_load %arg6[%get3A_238, %get3A_239] {strides = array<i32>} : memref<128x64xf32, #tpu.memory_space<vmem>>, vector<1x16xf32>,
        %get3A_241 = vector.shape_cast %get3A_240 : vector<1x16xf32> to vector<16xf32>
        %mul3A_242 = vector.broadcast %scan3A_62 : f32 to vector<16xf32>
        %mul3A_243 = arith.mulf %get3A_241, %mul3A_242 : vector<16xf32>
        %swap3A_244 = arith.index_cast %scan3A_237 : i32 to index
        %swap3A_245 = arith.constant 0 : index
        %swap3A_246 = tpu.vector_load %arg8[%swap3A_244, %swap3A_245] {strides = array<i32>} : memref<128x64xf32, #tpu.memory_space<vmem>>, vector<1x16xf32>,
        %swap3A_247 = vector.shape_cast %swap3A_246 : vector<1x16xf32> to vector<16xf32>
        %swap3A_248 = vector.shape_cast %mul3A_243 : vector<16xf32> to vector<1x16xf32>
        tpu.vector_store %arg8[%swap3A_244, %swap3A_245], %swap3A_248 {strides = array<i32>} : memref<128x64xf32, #tpu.memory_space<vmem>>, vector<1x16xf32>,
        %get3A_249 = arith.index_cast %scan3A_237 : i32 to index
        %get3A_250 = arith.constant 16 : index
        %get3A_251 = tpu.vector_load %arg6[%get3A_249, %get3A_250] {strides = array<i32>} : memref<128x64xf32, #tpu.memory_space<vmem>>, vector<1x16xf32>,
        %get3A_252 = vector.shape_cast %get3A_251 : vector<1x16xf32> to vector<16xf32>
        %mul3A_253 = vector.broadcast %scan3A_62 : f32 to vector<16xf32>
        %mul3A_254 = arith.mulf %get3A_252, %mul3A_253 : vector<16xf32>
        %swap3A_255 = arith.index_cast %scan3A_237 : i32 to index
        %swap3A_256 = arith.constant 16 : index
        %swap3A_257 = tpu.vector_load %arg8[%swap3A_255, %swap3A_256] {strides = array<i32>} : memref<128x64xf32, #tpu.memory_space<vmem>>, vector<1x16xf32>,
        %swap3A_258 = vector.shape_cast %swap3A_257 : vector<1x16xf32> to vector<16xf32>
        %swap3A_259 = vector.shape_cast %mul3A_254 : vector<16xf32> to vector<1x16xf32>
        tpu.vector_store %arg8[%swap3A_255, %swap3A_256], %swap3A_259 {strides = array<i32>} : memref<128x64xf32, #tpu.memory_space<vmem>>, vector<1x16xf32>,
        %get3A_260 = arith.index_cast %scan3A_237 : i32 to index
        %get3A_261 = arith.constant 32 : index
        %get3A_262 = tpu.vector_load %arg6[%get3A_260, %get3A_261] {strides = array<i32>} : memref<128x64xf32, #tpu.memory_space<vmem>>, vector<1x16xf32>,
        %get3A_263 = vector.shape_cast %get3A_262 : vector<1x16xf32> to vector<16xf32>
        %mul3A_264 = vector.broadcast %scan3A_62 : f32 to vector<16xf32>
        %mul3A_265 = arith.mulf %get3A_263, %mul3A_264 : vector<16xf32>
        %swap3A_266 = arith.index_cast %scan3A_237 : i32 to index
        %swap3A_267 = arith.constant 32 : index
        %swap3A_268 = tpu.vector_load %arg8[%swap3A_266, %swap3A_267] {strides = array<i32>} : memref<128x64xf32, #tpu.memory_space<vmem>>, vector<1x16xf32>,
        %swap3A_269 = vector.shape_cast %swap3A_268 : vector<1x16xf32> to vector<16xf32>
        %swap3A_270 = vector.shape_cast %mul3A_265 : vector<16xf32> to vector<1x16xf32>
        tpu.vector_store %arg8[%swap3A_266, %swap3A_267], %swap3A_270 {strides = array<i32>} : memref<128x64xf32, #tpu.memory_space<vmem>>, vector<1x16xf32>,
        %get3A_271 = arith.index_cast %scan3A_237 : i32 to index
        %get3A_272 = arith.constant 48 : index
        %get3A_273 = tpu.vector_load %arg6[%get3A_271, %get3A_272] {strides = array<i32>} : memref<128x64xf32, #tpu.memory_space<vmem>>, vector<1x16xf32>,
        %get3A_274 = vector.shape_cast %get3A_273 : vector<1x16xf32> to vector<16xf32>
        %mul3A_275 = vector.broadcast %scan3A_62 : f32 to vector<16xf32>
        %mul3A_276 = arith.mulf %get3A_274, %mul3A_275 : vector<16xf32>
        %swap3A_277 = arith.index_cast %scan3A_237 : i32 to index
        %swap3A_278 = arith.constant 48 : index
        %swap3A_279 = tpu.vector_load %arg8[%swap3A_277, %swap3A_278] {strides = array<i32>} : memref<128x64xf32, #tpu.memory_space<vmem>>, vector<1x16xf32>,
        %swap3A_280 = vector.shape_cast %swap3A_279 : vector<1x16xf32> to vector<16xf32>
        %swap3A_281 = vector.shape_cast %mul3A_276 : vector<16xf32> to vector<1x16xf32>
        tpu.vector_store %arg8[%swap3A_277, %swap3A_278], %swap3A_281 {strides = array<i32>} : memref<128x64xf32, #tpu.memory_space<vmem>>, vector<1x16xf32>,
        %scan3A_282 = arith.constant 2 : i32
        %scan3A_283 = arith.addi %scan3A_193, %scan3A_282 : i32
        %get3A_284 = arith.index_cast %scan3A_283 : i32 to index
        %get3A_285 = arith.constant 0 : index
        %get3A_286 = tpu.vector_load %arg6[%get3A_284, %get3A_285] {strides = array<i32>} : memref<128x64xf32, #tpu.memory_space<vmem>>, vector<1x16xf32>,
        %get3A_287 = vector.shape_cast %get3A_286 : vector<1x16xf32> to vector<16xf32>
        %mul3A_288 = vector.broadcast %scan3A_62 : f32 to vector<16xf32>
        %mul3A_289 = arith.mulf %get3A_287, %mul3A_288 : vector<16xf32>
        %swap3A_290 = arith.index_cast %scan3A_283 : i32 to index
        %swap3A_291 = arith.constant 0 : index
        %swap3A_292 = tpu.vector_load %arg8[%swap3A_290, %swap3A_291] {strides = array<i32>} : memref<128x64xf32, #tpu.memory_space<vmem>>, vector<1x16xf32>,
        %swap3A_293 = vector.shape_cast %swap3A_292 : vector<1x16xf32> to vector<16xf32>
        %swap3A_294 = vector.shape_cast %mul3A_289 : vector<16xf32> to vector<1x16xf32>
        tpu.vector_store %arg8[%swap3A_290, %swap3A_291], %swap3A_294 {strides = array<i32>} : memref<128x64xf32, #tpu.memory_space<vmem>>, vector<1x16xf32>,
        %get3A_295 = arith.index_cast %scan3A_283 : i32 to index
        %get3A_296 = arith.constant 16 : index
        %get3A_297 = tpu.vector_load %arg6[%get3A_295, %get3A_296] {strides = array<i32>} : memref<128x64xf32, #tpu.memory_space<vmem>>, vector<1x16xf32>,
        %get3A_298 = vector.shape_cast %get3A_297 : vector<1x16xf32> to vector<16xf32>
        %mul3A_299 = vector.broadcast %scan3A_62 : f32 to vector<16xf32>
        %mul3A_300 = arith.mulf %get3A_298, %mul3A_299 : vector<16xf32>
        %swap3A_301 = arith.index_cast %scan3A_283 : i32 to index
        %swap3A_302 = arith.constant 16 : index
        %swap3A_303 = tpu.vector_load %arg8[%swap3A_301, %swap3A_302] {strides = array<i32>} : memref<128x64xf32, #tpu.memory_space<vmem>>, vector<1x16xf32>,
        %swap3A_304 = vector.shape_cast %swap3A_303 : vector<1x16xf32> to vector<16xf32>
        %swap3A_305 = vector.shape_cast %mul3A_300 : vector<16xf32> to vector<1x16xf32>
        tpu.vector_store %arg8[%swap3A_301, %swap3A_302], %swap3A_305 {strides = array<i32>} : memref<128x64xf32, #tpu.memory_space<vmem>>, vector<1x16xf32>,
        %get3A_306 = arith.index_cast %scan3A_283 : i32 to index
        %get3A_307 = arith.constant 32 : index
        %get3A_308 = tpu.vector_load %arg6[%get3A_306, %get3A_307] {strides = array<i32>} : memref<128x64xf32, #tpu.memory_space<vmem>>, vector<1x16xf32>,
        %get3A_309 = vector.shape_cast %get3A_308 : vector<1x16xf32> to vector<16xf32>
        %mul3A_310 = vector.broadcast %scan3A_62 : f32 to vector<16xf32>
        %mul3A_311 = arith.mulf %get3A_309, %mul3A_310 : vector<16xf32>
        %swap3A_312 = arith.index_cast %scan3A_283 : i32 to index
        %swap3A_313 = arith.constant 32 : index
        %swap3A_314 = tpu.vector_load %arg8[%swap3A_312, %swap3A_313] {strides = array<i32>} : memref<128x64xf32, #tpu.memory_space<vmem>>, vector<1x16xf32>,
        %swap3A_315 = vector.shape_cast %swap3A_314 : vector<1x16xf32> to vector<16xf32>
        %swap3A_316 = vector.shape_cast %mul3A_311 : vector<16xf32> to vector<1x16xf32>
        tpu.vector_store %arg8[%swap3A_312, %swap3A_313], %swap3A_316 {strides = array<i32>} : memref<128x64xf32, #tpu.memory_space<vmem>>, vector<1x16xf32>,
        %get3A_317 = arith.index_cast %scan3A_283 : i32 to index
        %get3A_318 = arith.constant 48 : index
        %get3A_319 = tpu.vector_load %arg6[%get3A_317, %get3A_318] {strides = array<i32>} : memref<128x64xf32, #tpu.memory_space<vmem>>, vector<1x16xf32>,
        %get3A_320 = vector.shape_cast %get3A_319 : vector<1x16xf32> to vector<16xf32>
        %mul3A_321 = vector.broadcast %scan3A_62 : f32 to vector<16xf32>
        %mul3A_322 = arith.mulf %get3A_320, %mul3A_321 : vector<16xf32>
        %swap3A_323 = arith.index_cast %scan3A_283 : i32 to index
        %swap3A_324 = arith.constant 48 : index
        %swap3A_325 = tpu.vector_load %arg8[%swap3A_323, %swap3A_324] {strides = array<i32>} : memref<128x64xf32, #tpu.memory_space<vmem>>, vector<1x16xf32>,
        %swap3A_326 = vector.shape_cast %swap3A_325 : vector<1x16xf32> to vector<16xf32>
        %swap3A_327 = vector.shape_cast %mul3A_322 : vector<16xf32> to vector<1x16xf32>
        tpu.vector_store %arg8[%swap3A_323, %swap3A_324], %swap3A_327 {strides = array<i32>} : memref<128x64xf32, #tpu.memory_space<vmem>>, vector<1x16xf32>,
        %scan3A_328 = arith.constant 3 : i32
        %scan3A_329 = arith.addi %scan3A_193, %scan3A_328 : i32
        %get3A_330 = arith.index_cast %scan3A_329 : i32 to index
        %get3A_331 = arith.constant 0 : index
        %get3A_332 = tpu.vector_load %arg6[%get3A_330, %get3A_331] {strides = array<i32>} : memref<128x64xf32, #tpu.memory_space<vmem>>, vector<1x16xf32>,
        %get3A_333 = vector.shape_cast %get3A_332 : vector<1x16xf32> to vector<16xf32>
        %mul3A_334 = vector.broadcast %scan3A_62 : f32 to vector<16xf32>
        %mul3A_335 = arith.mulf %get3A_333, %mul3A_334 : vector<16xf32>
        %swap3A_336 = arith.index_cast %scan3A_329 : i32 to index
        %swap3A_337 = arith.constant 0 : index
        %swap3A_338 = tpu.vector_load %arg8[%swap3A_336, %swap3A_337] {strides = array<i32>} : memref<128x64xf32, #tpu.memory_space<vmem>>, vector<1x16xf32>,
        %swap3A_339 = vector.shape_cast %swap3A_338 : vector<1x16xf32> to vector<16xf32>
        %swap3A_340 = vector.shape_cast %mul3A_335 : vector<16xf32> to vector<1x16xf32>
        tpu.vector_store %arg8[%swap3A_336, %swap3A_337], %swap3A_340 {strides = array<i32>} : memref<128x64xf32, #tpu.memory_space<vmem>>, vector<1x16xf32>,
        %get3A_341 = arith.index_cast %scan3A_329 : i32 to index
        %get3A_342 = arith.constant 16 : index
        %get3A_343 = tpu.vector_load %arg6[%get3A_341, %get3A_342] {strides = array<i32>} : memref<128x64xf32, #tpu.memory_space<vmem>>, vector<1x16xf32>,
        %get3A_344 = vector.shape_cast %get3A_343 : vector<1x16xf32> to vector<16xf32>
        %mul3A_345 = vector.broadcast %scan3A_62 : f32 to vector<16xf32>
        %mul3A_346 = arith.mulf %get3A_344, %mul3A_345 : vector<16xf32>
        %swap3A_347 = arith.index_cast %scan3A_329 : i32 to index
        %swap3A_348 = arith.constant 16 : index
        %swap3A_349 = tpu.vector_load %arg8[%swap3A_347, %swap3A_348] {strides = array<i32>} : memref<128x64xf32, #tpu.memory_space<vmem>>, vector<1x16xf32>,
        %swap3A_350 = vector.shape_cast %swap3A_349 : vector<1x16xf32> to vector<16xf32>
        %swap3A_351 = vector.shape_cast %mul3A_346 : vector<16xf32> to vector<1x16xf32>
        tpu.vector_store %arg8[%swap3A_347, %swap3A_348], %swap3A_351 {strides = array<i32>} : memref<128x64xf32, #tpu.memory_space<vmem>>, vector<1x16xf32>,
        %get3A_352 = arith.index_cast %scan3A_329 : i32 to index
        %get3A_353 = arith.constant 32 : index
        %get3A_354 = tpu.vector_load %arg6[%get3A_352, %get3A_353] {strides = array<i32>} : memref<128x64xf32, #tpu.memory_space<vmem>>, vector<1x16xf32>,
        %get3A_355 = vector.shape_cast %get3A_354 : vector<1x16xf32> to vector<16xf32>
        %mul3A_356 = vector.broadcast %scan3A_62 : f32 to vector<16xf32>
        %mul3A_357 = arith.mulf %get3A_355, %mul3A_356 : vector<16xf32>
        %swap3A_358 = arith.index_cast %scan3A_329 : i32 to index
        %swap3A_359 = arith.constant 32 : index
        %swap3A_360 = tpu.vector_load %arg8[%swap3A_358, %swap3A_359] {strides = array<i32>} : memref<128x64xf32, #tpu.memory_space<vmem>>, vector<1x16xf32>,
        %swap3A_361 = vector.shape_cast %swap3A_360 : vector<1x16xf32> to vector<16xf32>
        %swap3A_362 = vector.shape_cast %mul3A_357 : vector<16xf32> to vector<1x16xf32>
        tpu.vector_store %arg8[%swap3A_358, %swap3A_359], %swap3A_362 {strides = array<i32>} : memref<128x64xf32, #tpu.memory_space<vmem>>, vector<1x16xf32>,
        %get3A_363 = arith.index_cast %scan3A_329 : i32 to index
        %get3A_364 = arith.constant 48 : index
        %get3A_365 = tpu.vector_load %arg6[%get3A_363, %get3A_364] {strides = array<i32>} : memref<128x64xf32, #tpu.memory_space<vmem>>, vector<1x16xf32>,
        %get3A_366 = vector.shape_cast %get3A_365 : vector<1x16xf32> to vector<16xf32>
        %mul3A_367 = vector.broadcast %scan3A_62 : f32 to vector<16xf32>
        %mul3A_368 = arith.mulf %get3A_366, %mul3A_367 : vector<16xf32>
        %swap3A_369 = arith.index_cast %scan3A_329 : i32 to index
        %swap3A_370 = arith.constant 48 : index
        %swap3A_371 = tpu.vector_load %arg8[%swap3A_369, %swap3A_370] {strides = array<i32>} : memref<128x64xf32, #tpu.memory_space<vmem>>, vector<1x16xf32>,
        %swap3A_372 = vector.shape_cast %swap3A_371 : vector<1x16xf32> to vector<16xf32>
        %swap3A_373 = vector.shape_cast %mul3A_368 : vector<16xf32> to vector<1x16xf32>
        tpu.vector_store %arg8[%swap3A_369, %swap3A_370], %swap3A_373 {strides = array<i32>} : memref<128x64xf32, #tpu.memory_space<vmem>>, vector<1x16xf32>,
      }
      %scan3A_141 = arith.constant 128 : i32
      %add3A_142 = arith.constant 2 : i32
      %add3A_143 = arith.addi %add3A_126, %add3A_142 : i32
      %mul3A_144 = arith.constant 128 : i32
      %mul3A_145 = arith.muli %add3A_143, %mul3A_144 : i32
      %multiple_of3A_146 = tpu.assume_multiple %mul3A_145, 128 : i32
      %dma_start3A_147 = tpu.memref_slice %arg5[%multiple_of3A_146] : memref<25600xi32, #tpu.memory_space<vmem>> -> memref<128xi32, #tpu.memory_space<vmem>>
      %dma_start3A_148 = arith.constant 0 : i32
      %dma_start3A_149 = arith.constant 0 : i32
      %dma_start3A_150 = tpu.memref_slice %arg2[%dma_start3A_148, %dma_start3A_149] : memref<1000000x64xf32, #tpu.memory_space<hbm>> -> memref<1000000x64xf32, #tpu.memory_space<hbm>>
      tpu.enqueue_indirect_dma source(%dma_start3A_150 : memref<1000000x64xf32, #tpu.memory_space<hbm>>) target(%arg6 : memref<128x64xf32, #tpu.memory_space<vmem>>) offsets(%dma_start3A_147 : memref<128xi32, #tpu.memory_space<vmem>>) semaphore(%arg10 : memref<!tpu.dma_semaphore, #tpu.memory_space<semaphore_mem>>)
      %mul3A_151 = arith.constant 128 : i32
      %mul3A_152 = arith.muli %add3A_126, %mul3A_151 : i32
      %multiple_of3A_153 = tpu.assume_multiple %mul3A_152, 128 : i32
      %add3A_154 = arith.addi %mul3A_2, %multiple_of3A_153 : i32
      %dma_start3A_155 = arith.constant 0 : i32
      %dma_start3A_156 = tpu.memref_slice %arg4[%add3A_154, %dma_start3A_155] : memref<819200x64xf32, #tpu.memory_space<hbm>> -> memref<128x64xf32, #tpu.memory_space<hbm>>
      %dma_start3A_157 = arith.constant 0 : i32
      %dma_start3A_158 = tpu.memref_slice %arg4[%add3A_154, %dma_start3A_157] : memref<819200x64xf32, #tpu.memory_space<hbm>> -> memref<128x64xf32, #tpu.memory_space<hbm>>
      tpu.enqueue_dma source(%arg8 : memref<128x64xf32, #tpu.memory_space<vmem>>) target(%dma_start3A_158 : memref<128x64xf32, #tpu.memory_space<hbm>>) target_semaphore(%arg12 : memref<!tpu.dma_semaphore, #tpu.memory_space<semaphore_mem>>)
      %add3A_159 = arith.constant 1 : i32
      %add3A_160 = arith.addi %mul3A_124, %add3A_159 : i32
      %dma_wait3A_161 = arith.constant 0 : i32
      %dma_wait3A_162 = tpu.memref_slice %arg5[%dma_wait3A_161] : memref<25600xi32, #tpu.memory_space<vmem>> -> memref<128xi32, #tpu.memory_space<vmem>>
      %dma_wait3A_163 = arith.constant 0 : i32
      %dma_wait3A_164 = arith.constant 0 : i32
      %dma_wait3A_165 = tpu.memref_slice %arg2[%dma_wait3A_163, %dma_wait3A_164] : memref<1000000x64xf32, #tpu.memory_space<hbm>> -> memref<1000000x64xf32, #tpu.memory_space<hbm>>
      tpu.wait_indirect_dma semaphore(%arg11 : memref<!tpu.dma_semaphore, #tpu.memory_space<semaphore_mem>>) src(%dma_wait3A_165 : memref<1000000x64xf32, #tpu.memory_space<hbm>>) dst(%arg7 : memref<128x64xf32, #tpu.memory_space<vmem>>)
      %dma_wait3A_166 = arith.constant 0 : i32
      %dma_wait3A_167 = tpu.memref_slice %arg4[%mul3A_2, %dma_wait3A_166] : memref<819200x64xf32, #tpu.memory_space<hbm>> -> memref<128x64xf32, #tpu.memory_space<hbm>>
      %dma_wait3A_168 = arith.constant 0 : i32
      %dma_wait3A_169 = tpu.memref_slice %arg4[%mul3A_2, %dma_wait3A_168] : memref<819200x64xf32, #tpu.memory_space<hbm>> -> memref<128x64xf32, #tpu.memory_space<hbm>>
      tpu.wait_dma2 semaphore(%arg13 : memref<!tpu.dma_semaphore, #tpu.memory_space<semaphore_mem>>) src(%arg9 : memref<128x64xf32, #tpu.memory_space<vmem>>) dst(%dma_wait3A_169 : memref<128x64xf32, #tpu.memory_space<hbm>>)
      %scan3A_170 = arith.constant 0 : i32
      %scan3A_171 = arith.constant 0 : i32
      %scan3A_172 = arith.constant 128 : i32
      %scan3A_173 = arith.addi %scan3A_171, %scan3A_172 : i32
      %scan3A_174 = arith.constant 4 : i32
      scf.for %scan3A_193 = %scan3A_171 to %scan3A_173 step %scan3A_174  : i32 {
        %get3A = arith.index_cast %scan3A_193 : i32 to index
        %get3A_194 = arith.constant 0 : index
        %get3A_195 = tpu.vector_load %arg7[%get3A, %get3A_194] {strides = array<i32>} : memref<128x64xf32, #tpu.memory_space<vmem>>, vector<1x16xf32>,
        %get3A_196 = vector.shape_cast %get3A_195 : vector<1x16xf32> to vector<16xf32>
        %mul3A_197 = vector.broadcast %scan3A_62 : f32 to vector<16xf32>
        %mul3A_198 = arith.mulf %get3A_196, %mul3A_197 : vector<16xf32>
        %swap3A = arith.index_cast %scan3A_193 : i32 to index
        %swap3A_199 = arith.constant 0 : index
        %swap3A_200 = tpu.vector_load %arg9[%swap3A, %swap3A_199] {strides = array<i32>} : memref<128x64xf32, #tpu.memory_space<vmem>>, vector<1x16xf32>,
        %swap3A_201 = vector.shape_cast %swap3A_200 : vector<1x16xf32> to vector<16xf32>
        %swap3A_202 = vector.shape_cast %mul3A_198 : vector<16xf32> to vector<1x16xf32>
        tpu.vector_store %arg9[%swap3A, %swap3A_199], %swap3A_202 {strides = array<i32>} : memref<128x64xf32, #tpu.memory_space<vmem>>, vector<1x16xf32>,
        %get3A_203 = arith.index_cast %scan3A_193 : i32 to index
        %get3A_204 = arith.constant 16 : index
        %get3A_205 = tpu.vector_load %arg7[%get3A_203, %get3A_204] {strides = array<i32>} : memref<128x64xf32, #tpu.memory_space<vmem>>, vector<1x16xf32>,
        %get3A_206 = vector.shape_cast %get3A_205 : vector<1x16xf32> to vector<16xf32>
        %mul3A_207 = vector.broadcast %scan3A_62 : f32 to vector<16xf32>
        %mul3A_208 = arith.mulf %get3A_206, %mul3A_207 : vector<16xf32>
        %swap3A_209 = arith.index_cast %scan3A_193 : i32 to index
        %swap3A_210 = arith.constant 16 : index
        %swap3A_211 = tpu.vector_load %arg9[%swap3A_209, %swap3A_210] {strides = array<i32>} : memref<128x64xf32, #tpu.memory_space<vmem>>, vector<1x16xf32>,
        %swap3A_212 = vector.shape_cast %swap3A_211 : vector<1x16xf32> to vector<16xf32>
        %swap3A_213 = vector.shape_cast %mul3A_208 : vector<16xf32> to vector<1x16xf32>
        tpu.vector_store %arg9[%swap3A_209, %swap3A_210], %swap3A_213 {strides = array<i32>} : memref<128x64xf32, #tpu.memory_space<vmem>>, vector<1x16xf32>,
        %get3A_214 = arith.index_cast %scan3A_193 : i32 to index
        %get3A_215 = arith.constant 32 : index
        %get3A_216 = tpu.vector_load %arg7[%get3A_214, %get3A_215] {strides = array<i32>} : memref<128x64xf32, #tpu.memory_space<vmem>>, vector<1x16xf32>,
        %get3A_217 = vector.shape_cast %get3A_216 : vector<1x16xf32> to vector<16xf32>
        %mul3A_218 = vector.broadcast %scan3A_62 : f32 to vector<16xf32>
        %mul3A_219 = arith.mulf %get3A_217, %mul3A_218 : vector<16xf32>
        %swap3A_220 = arith.index_cast %scan3A_193 : i32 to index
        %swap3A_221 = arith.constant 32 : index
        %swap3A_222 = tpu.vector_load %arg9[%swap3A_220, %swap3A_221] {strides = array<i32>} : memref<128x64xf32, #tpu.memory_space<vmem>>, vector<1x16xf32>,
        %swap3A_223 = vector.shape_cast %swap3A_222 : vector<1x16xf32> to vector<16xf32>
        %swap3A_224 = vector.shape_cast %mul3A_219 : vector<16xf32> to vector<1x16xf32>
        tpu.vector_store %arg9[%swap3A_220, %swap3A_221], %swap3A_224 {strides = array<i32>} : memref<128x64xf32, #tpu.memory_space<vmem>>, vector<1x16xf32>,
        %get3A_225 = arith.index_cast %scan3A_193 : i32 to index
        %get3A_226 = arith.constant 48 : index
        %get3A_227 = tpu.vector_load %arg7[%get3A_225, %get3A_226] {strides = array<i32>} : memref<128x64xf32, #tpu.memory_space<vmem>>, vector<1x16xf32>,
        %get3A_228 = vector.shape_cast %get3A_227 : vector<1x16xf32> to vector<16xf32>
        %mul3A_229 = vector.broadcast %scan3A_62 : f32 to vector<16xf32>
        %mul3A_230 = arith.mulf %get3A_228, %mul3A_229 : vector<16xf32>
        %swap3A_231 = arith.index_cast %scan3A_193 : i32 to index
        %swap3A_232 = arith.constant 48 : index
        %swap3A_233 = tpu.vector_load %arg9[%swap3A_231, %swap3A_232] {strides = array<i32>} : memref<128x64xf32, #tpu.memory_space<vmem>>, vector<1x16xf32>,
        %swap3A_234 = vector.shape_cast %swap3A_233 : vector<1x16xf32> to vector<16xf32>
        %swap3A_235 = vector.shape_cast %mul3A_230 : vector<16xf32> to vector<1x16xf32>
        tpu.vector_store %arg9[%swap3A_231, %swap3A_232], %swap3A_235 {strides = array<i32>} : memref<128x64xf32, #tpu.memory_space<vmem>>, vector<1x16xf32>,
        %scan3A_236 = arith.constant 1 : i32
        %scan3A_237 = arith.addi %scan3A_193, %scan3A_236 : i32
        %get3A_238 = arith.index_cast %scan3A_237 : i32 to index
        %get3A_239 = arith.constant 0 : index
        %get3A_240 = tpu.vector_load %arg7[%get3A_238, %get3A_239] {strides = array<i32>} : memref<128x64xf32, #tpu.memory_space<vmem>>, vector<1x16xf32>,
        %get3A_241 = vector.shape_cast %get3A_240 : vector<1x16xf32> to vector<16xf32>
        %mul3A_242 = vector.broadcast %scan3A_62 : f32 to vector<16xf32>
        %mul3A_243 = arith.mulf %get3A_241, %mul3A_242 : vector<16xf32>
        %swap3A_244 = arith.index_cast %scan3A_237 : i32 to index
        %swap3A_245 = arith.constant 0 : index
        %swap3A_246 = tpu.vector_load %arg9[%swap3A_244, %swap3A_245] {strides = array<i32>} : memref<128x64xf32, #tpu.memory_space<vmem>>, vector<1x16xf32>,
        %swap3A_247 = vector.shape_cast %swap3A_246 : vector<1x16xf32> to vector<16xf32>
        %swap3A_248 = vector.shape_cast %mul3A_243 : vector<16xf32> to vector<1x16xf32>
        tpu.vector_store %arg9[%swap3A_244, %swap3A_245], %swap3A_248 {strides = array<i32>} : memref<128x64xf32, #tpu.memory_space<vmem>>, vector<1x16xf32>,
        %get3A_249 = arith.index_cast %scan3A_237 : i32 to index
        %get3A_250 = arith.constant 16 : index
        %get3A_251 = tpu.vector_load %arg7[%get3A_249, %get3A_250] {strides = array<i32>} : memref<128x64xf32, #tpu.memory_space<vmem>>, vector<1x16xf32>,
        %get3A_252 = vector.shape_cast %get3A_251 : vector<1x16xf32> to vector<16xf32>
        %mul3A_253 = vector.broadcast %scan3A_62 : f32 to vector<16xf32>
        %mul3A_254 = arith.mulf %get3A_252, %mul3A_253 : vector<16xf32>
        %swap3A_255 = arith.index_cast %scan3A_237 : i32 to index
        %swap3A_256 = arith.constant 16 : index
        %swap3A_257 = tpu.vector_load %arg9[%swap3A_255, %swap3A_256] {strides = array<i32>} : memref<128x64xf32, #tpu.memory_space<vmem>>, vector<1x16xf32>,
        %swap3A_258 = vector.shape_cast %swap3A_257 : vector<1x16xf32> to vector<16xf32>
        %swap3A_259 = vector.shape_cast %mul3A_254 : vector<16xf32> to vector<1x16xf32>
        tpu.vector_store %arg9[%swap3A_255, %swap3A_256], %swap3A_259 {strides = array<i32>} : memref<128x64xf32, #tpu.memory_space<vmem>>, vector<1x16xf32>,
        %get3A_260 = arith.index_cast %scan3A_237 : i32 to index
        %get3A_261 = arith.constant 32 : index
        %get3A_262 = tpu.vector_load %arg7[%get3A_260, %get3A_261] {strides = array<i32>} : memref<128x64xf32, #tpu.memory_space<vmem>>, vector<1x16xf32>,
        %get3A_263 = vector.shape_cast %get3A_262 : vector<1x16xf32> to vector<16xf32>
        %mul3A_264 = vector.broadcast %scan3A_62 : f32 to vector<16xf32>
        %mul3A_265 = arith.mulf %get3A_263, %mul3A_264 : vector<16xf32>
        %swap3A_266 = arith.index_cast %scan3A_237 : i32 to index
        %swap3A_267 = arith.constant 32 : index
        %swap3A_268 = tpu.vector_load %arg9[%swap3A_266, %swap3A_267] {strides = array<i32>} : memref<128x64xf32, #tpu.memory_space<vmem>>, vector<1x16xf32>,
        %swap3A_269 = vector.shape_cast %swap3A_268 : vector<1x16xf32> to vector<16xf32>
        %swap3A_270 = vector.shape_cast %mul3A_265 : vector<16xf32> to vector<1x16xf32>
        tpu.vector_store %arg9[%swap3A_266, %swap3A_267], %swap3A_270 {strides = array<i32>} : memref<128x64xf32, #tpu.memory_space<vmem>>, vector<1x16xf32>,
        %get3A_271 = arith.index_cast %scan3A_237 : i32 to index
        %get3A_272 = arith.constant 48 : index
        %get3A_273 = tpu.vector_load %arg7[%get3A_271, %get3A_272] {strides = array<i32>} : memref<128x64xf32, #tpu.memory_space<vmem>>, vector<1x16xf32>,
        %get3A_274 = vector.shape_cast %get3A_273 : vector<1x16xf32> to vector<16xf32>
        %mul3A_275 = vector.broadcast %scan3A_62 : f32 to vector<16xf32>
        %mul3A_276 = arith.mulf %get3A_274, %mul3A_275 : vector<16xf32>
        %swap3A_277 = arith.index_cast %scan3A_237 : i32 to index
        %swap3A_278 = arith.constant 48 : index
        %swap3A_279 = tpu.vector_load %arg9[%swap3A_277, %swap3A_278] {strides = array<i32>} : memref<128x64xf32, #tpu.memory_space<vmem>>, vector<1x16xf32>,
        %swap3A_280 = vector.shape_cast %swap3A_279 : vector<1x16xf32> to vector<16xf32>
        %swap3A_281 = vector.shape_cast %mul3A_276 : vector<16xf32> to vector<1x16xf32>
        tpu.vector_store %arg9[%swap3A_277, %swap3A_278], %swap3A_281 {strides = array<i32>} : memref<128x64xf32, #tpu.memory_space<vmem>>, vector<1x16xf32>,
        %scan3A_282 = arith.constant 2 : i32
        %scan3A_283 = arith.addi %scan3A_193, %scan3A_282 : i32
        %get3A_284 = arith.index_cast %scan3A_283 : i32 to index
        %get3A_285 = arith.constant 0 : index
        %get3A_286 = tpu.vector_load %arg7[%get3A_284, %get3A_285] {strides = array<i32>} : memref<128x64xf32, #tpu.memory_space<vmem>>, vector<1x16xf32>,
        %get3A_287 = vector.shape_cast %get3A_286 : vector<1x16xf32> to vector<16xf32>
        %mul3A_288 = vector.broadcast %scan3A_62 : f32 to vector<16xf32>
        %mul3A_289 = arith.mulf %get3A_287, %mul3A_288 : vector<16xf32>
        %swap3A_290 = arith.index_cast %scan3A_283 : i32 to index
        %swap3A_291 = arith.constant 0 : index
        %swap3A_292 = tpu.vector_load %arg9[%swap3A_290, %swap3A_291] {strides = array<i32>} : memref<128x64xf32, #tpu.memory_space<vmem>>, vector<1x16xf32>,
        %swap3A_293 = vector.shape_cast %swap3A_292 : vector<1x16xf32> to vector<16xf32>
        %swap3A_294 = vector.shape_cast %mul3A_289 : vector<16xf32> to vector<1x16xf32>
        tpu.vector_store %arg9[%swap3A_290, %swap3A_291], %swap3A_294 {strides = array<i32>} : memref<128x64xf32, #tpu.memory_space<vmem>>, vector<1x16xf32>,
        %get3A_295 = arith.index_cast %scan3A_283 : i32 to index
        %get3A_296 = arith.constant 16 : index
        %get3A_297 = tpu.vector_load %arg7[%get3A_295, %get3A_296] {strides = array<i32>} : memref<128x64xf32, #tpu.memory_space<vmem>>, vector<1x16xf32>,
        %get3A_298 = vector.shape_cast %get3A_297 : vector<1x16xf32> to vector<16xf32>
        %mul3A_299 = vector.broadcast %scan3A_62 : f32 to vector<16xf32>
        %mul3A_300 = arith.mulf %get3A_298, %mul3A_299 : vector<16xf32>
        %swap3A_301 = arith.index_cast %scan3A_283 : i32 to index
        %swap3A_302 = arith.constant 16 : index
        %swap3A_303 = tpu.vector_load %arg9[%swap3A_301, %swap3A_302] {strides = array<i32>} : memref<128x64xf32, #tpu.memory_space<vmem>>, vector<1x16xf32>,
        %swap3A_304 = vector.shape_cast %swap3A_303 : vector<1x16xf32> to vector<16xf32>
        %swap3A_305 = vector.shape_cast %mul3A_300 : vector<16xf32> to vector<1x16xf32>
        tpu.vector_store %arg9[%swap3A_301, %swap3A_302], %swap3A_305 {strides = array<i32>} : memref<128x64xf32, #tpu.memory_space<vmem>>, vector<1x16xf32>,
        %get3A_306 = arith.index_cast %scan3A_283 : i32 to index
        %get3A_307 = arith.constant 32 : index
        %get3A_308 = tpu.vector_load %arg7[%get3A_306, %get3A_307] {strides = array<i32>} : memref<128x64xf32, #tpu.memory_space<vmem>>, vector<1x16xf32>,
        %get3A_309 = vector.shape_cast %get3A_308 : vector<1x16xf32> to vector<16xf32>
        %mul3A_310 = vector.broadcast %scan3A_62 : f32 to vector<16xf32>
        %mul3A_311 = arith.mulf %get3A_309, %mul3A_310 : vector<16xf32>
        %swap3A_312 = arith.index_cast %scan3A_283 : i32 to index
        %swap3A_313 = arith.constant 32 : index
        %swap3A_314 = tpu.vector_load %arg9[%swap3A_312, %swap3A_313] {strides = array<i32>} : memref<128x64xf32, #tpu.memory_space<vmem>>, vector<1x16xf32>,
        %swap3A_315 = vector.shape_cast %swap3A_314 : vector<1x16xf32> to vector<16xf32>
        %swap3A_316 = vector.shape_cast %mul3A_311 : vector<16xf32> to vector<1x16xf32>
        tpu.vector_store %arg9[%swap3A_312, %swap3A_313], %swap3A_316 {strides = array<i32>} : memref<128x64xf32, #tpu.memory_space<vmem>>, vector<1x16xf32>,
        %get3A_317 = arith.index_cast %scan3A_283 : i32 to index
        %get3A_318 = arith.constant 48 : index
        %get3A_319 = tpu.vector_load %arg7[%get3A_317, %get3A_318] {strides = array<i32>} : memref<128x64xf32, #tpu.memory_space<vmem>>, vector<1x16xf32>,
        %get3A_320 = vector.shape_cast %get3A_319 : vector<1x16xf32> to vector<16xf32>
        %mul3A_321 = vector.broadcast %scan3A_62 : f32 to vector<16xf32>
        %mul3A_322 = arith.mulf %get3A_320, %mul3A_321 : vector<16xf32>
        %swap3A_323 = arith.index_cast %scan3A_283 : i32 to index
        %swap3A_324 = arith.constant 48 : index
        %swap3A_325 = tpu.vector_load %arg9[%swap3A_323, %swap3A_324] {strides = array<i32>} : memref<128x64xf32, #tpu.memory_space<vmem>>, vector<1x16xf32>,
        %swap3A_326 = vector.shape_cast %swap3A_325 : vector<1x16xf32> to vector<16xf32>
        %swap3A_327 = vector.shape_cast %mul3A_322 : vector<16xf32> to vector<1x16xf32>
        tpu.vector_store %arg9[%swap3A_323, %swap3A_324], %swap3A_327 {strides = array<i32>} : memref<128x64xf32, #tpu.memory_space<vmem>>, vector<1x16xf32>,
        %scan3A_328 = arith.constant 3 : i32
        %scan3A_329 = arith.addi %scan3A_193, %scan3A_328 : i32
        %get3A_330 = arith.index_cast %scan3A_329 : i32 to index
        %get3A_331 = arith.constant 0 : index
        %get3A_332 = tpu.vector_load %arg7[%get3A_330, %get3A_331] {strides = array<i32>} : memref<128x64xf32, #tpu.memory_space<vmem>>, vector<1x16xf32>,
        %get3A_333 = vector.shape_cast %get3A_332 : vector<1x16xf32> to vector<16xf32>
        %mul3A_334 = vector.broadcast %scan3A_62 : f32 to vector<16xf32>
        %mul3A_335 = arith.mulf %get3A_333, %mul3A_334 : vector<16xf32>
        %swap3A_336 = arith.index_cast %scan3A_329 : i32 to index
        %swap3A_337 = arith.constant 0 : index
        %swap3A_338 = tpu.vector_load %arg9[%swap3A_336, %swap3A_337] {strides = array<i32>} : memref<128x64xf32, #tpu.memory_space<vmem>>, vector<1x16xf32>,
        %swap3A_339 = vector.shape_cast %swap3A_338 : vector<1x16xf32> to vector<16xf32>
        %swap3A_340 = vector.shape_cast %mul3A_335 : vector<16xf32> to vector<1x16xf32>
        tpu.vector_store %arg9[%swap3A_336, %swap3A_337], %swap3A_340 {strides = array<i32>} : memref<128x64xf32, #tpu.memory_space<vmem>>, vector<1x16xf32>,
        %get3A_341 = arith.index_cast %scan3A_329 : i32 to index
        %get3A_342 = arith.constant 16 : index
        %get3A_343 = tpu.vector_load %arg7[%get3A_341, %get3A_342] {strides = array<i32>} : memref<128x64xf32, #tpu.memory_space<vmem>>, vector<1x16xf32>,
        %get3A_344 = vector.shape_cast %get3A_343 : vector<1x16xf32> to vector<16xf32>
        %mul3A_345 = vector.broadcast %scan3A_62 : f32 to vector<16xf32>
        %mul3A_346 = arith.mulf %get3A_344, %mul3A_345 : vector<16xf32>
        %swap3A_347 = arith.index_cast %scan3A_329 : i32 to index
        %swap3A_348 = arith.constant 16 : index
        %swap3A_349 = tpu.vector_load %arg9[%swap3A_347, %swap3A_348] {strides = array<i32>} : memref<128x64xf32, #tpu.memory_space<vmem>>, vector<1x16xf32>,
        %swap3A_350 = vector.shape_cast %swap3A_349 : vector<1x16xf32> to vector<16xf32>
        %swap3A_351 = vector.shape_cast %mul3A_346 : vector<16xf32> to vector<1x16xf32>
        tpu.vector_store %arg9[%swap3A_347, %swap3A_348], %swap3A_351 {strides = array<i32>} : memref<128x64xf32, #tpu.memory_space<vmem>>, vector<1x16xf32>,
        %get3A_352 = arith.index_cast %scan3A_329 : i32 to index
        %get3A_353 = arith.constant 32 : index
        %get3A_354 = tpu.vector_load %arg7[%get3A_352, %get3A_353] {strides = array<i32>} : memref<128x64xf32, #tpu.memory_space<vmem>>, vector<1x16xf32>,
        %get3A_355 = vector.shape_cast %get3A_354 : vector<1x16xf32> to vector<16xf32>
        %mul3A_356 = vector.broadcast %scan3A_62 : f32 to vector<16xf32>
        %mul3A_357 = arith.mulf %get3A_355, %mul3A_356 : vector<16xf32>
        %swap3A_358 = arith.index_cast %scan3A_329 : i32 to index
        %swap3A_359 = arith.constant 32 : index
        %swap3A_360 = tpu.vector_load %arg9[%swap3A_358, %swap3A_359] {strides = array<i32>} : memref<128x64xf32, #tpu.memory_space<vmem>>, vector<1x16xf32>,
        %swap3A_361 = vector.shape_cast %swap3A_360 : vector<1x16xf32> to vector<16xf32>
        %swap3A_362 = vector.shape_cast %mul3A_357 : vector<16xf32> to vector<1x16xf32>
        tpu.vector_store %arg9[%swap3A_358, %swap3A_359], %swap3A_362 {strides = array<i32>} : memref<128x64xf32, #tpu.memory_space<vmem>>, vector<1x16xf32>,
        %get3A_363 = arith.index_cast %scan3A_329 : i32 to index
        %get3A_364 = arith.constant 48 : index
        %get3A_365 = tpu.vector_load %arg7[%get3A_363, %get3A_364] {strides = array<i32>} : memref<128x64xf32, #tpu.memory_space<vmem>>, vector<1x16xf32>,
        %get3A_366 = vector.shape_cast %get3A_365 : vector<1x16xf32> to vector<16xf32>
        %mul3A_367 = vector.broadcast %scan3A_62 : f32 to vector<16xf32>
        %mul3A_368 = arith.mulf %get3A_366, %mul3A_367 : vector<16xf32>
        %swap3A_369 = arith.index_cast %scan3A_329 : i32 to index
        %swap3A_370 = arith.constant 48 : index
        %swap3A_371 = tpu.vector_load %arg9[%swap3A_369, %swap3A_370] {strides = array<i32>} : memref<128x64xf32, #tpu.memory_space<vmem>>, vector<1x16xf32>,
        %swap3A_372 = vector.shape_cast %swap3A_371 : vector<1x16xf32> to vector<16xf32>
        %swap3A_373 = vector.shape_cast %mul3A_368 : vector<16xf32> to vector<1x16xf32>
        tpu.vector_store %arg9[%swap3A_369, %swap3A_370], %swap3A_373 {strides = array<i32>} : memref<128x64xf32, #tpu.memory_space<vmem>>, vector<1x16xf32>,
      }
      %scan3A_175 = arith.constant 128 : i32
      %add3A_176 = arith.constant 2 : i32
      %add3A_177 = arith.addi %add3A_160, %add3A_176 : i32
      %mul3A_178 = arith.constant 128 : i32
      %mul3A_179 = arith.muli %add3A_177, %mul3A_178 : i32
      %multiple_of3A_180 = tpu.assume_multiple %mul3A_179, 128 : i32
      %dma_start3A_181 = tpu.memref_slice %arg5[%multiple_of3A_180] : memref<25600xi32, #tpu.memory_space<vmem>> -> memref<128xi32, #tpu.memory_space<vmem>>
      %dma_start3A_182 = arith.constant 0 : i32
      %dma_start3A_183 = arith.constant 0 : i32
      %dma_start3A_184 = tpu.memref_slice %arg2[%dma_start3A_182, %dma_start3A_183] : memref<1000000x64xf32, #tpu.memory_space<hbm>> -> memref<1000000x64xf32, #tpu.memory_space<hbm>>
      tpu.enqueue_indirect_dma source(%dma_start3A_184 : memref<1000000x64xf32, #tpu.memory_space<hbm>>) target(%arg7 : memref<128x64xf32, #tpu.memory_space<vmem>>) offsets(%dma_start3A_181 : memref<128xi32, #tpu.memory_space<vmem>>) semaphore(%arg11 : memref<!tpu.dma_semaphore, #tpu.memory_space<semaphore_mem>>)
      %mul3A_185 = arith.constant 128 : i32
      %mul3A_186 = arith.muli %add3A_160, %mul3A_185 : i32
      %multiple_of3A_187 = tpu.assume_multiple %mul3A_186, 128 : i32
      %add3A_188 = arith.addi %mul3A_2, %multiple_of3A_187 : i32
      %dma_start3A_189 = arith.constant 0 : i32
      %dma_start3A_190 = tpu.memref_slice %arg4[%add3A_188, %dma_start3A_189] : memref<819200x64xf32, #tpu.memory_space<hbm>> -> memref<128x64xf32, #tpu.memory_space<hbm>>
      %dma_start3A_191 = arith.constant 0 : i32
      %dma_start3A_192 = tpu.memref_slice %arg4[%add3A_188, %dma_start3A_191] : memref<819200x64xf32, #tpu.memory_space<hbm>> -> memref<128x64xf32, #tpu.memory_space<hbm>>
      tpu.enqueue_dma source(%arg9 : memref<128x64xf32, #tpu.memory_space<vmem>>) target(%dma_start3A_192 : memref<128x64xf32, #tpu.memory_space<hbm>>) target_semaphore(%arg13 : memref<!tpu.dma_semaphore, #tpu.memory_space<semaphore_mem>>)
    }
    %scan3A_67 = arith.constant 98 : i32
    %dma_wait3A_68 = arith.constant 0 : i32
    %dma_wait3A_69 = tpu.memref_slice %arg5[%dma_wait3A_68] : memref<25600xi32, #tpu.memory_space<vmem>> -> memref<128xi32, #tpu.memory_space<vmem>>
    %dma_wait3A_70 = arith.constant 0 : i32
    %dma_wait3A_71 = arith.constant 0 : i32
    %dma_wait3A_72 = tpu.memref_slice %arg2[%dma_wait3A_70, %dma_wait3A_71] : memref<1000000x64xf32, #tpu.memory_space<hbm>> -> memref<1000000x64xf32, #tpu.memory_space<hbm>>
    tpu.wait_indirect_dma semaphore(%arg10 : memref<!tpu.dma_semaphore, #tpu.memory_space<semaphore_mem>>) src(%dma_wait3A_72 : memref<1000000x64xf32, #tpu.memory_space<hbm>>) dst(%arg6 : memref<128x64xf32, #tpu.memory_space<vmem>>)
    %dma_wait3A_73 = arith.constant 0 : i32
    %dma_wait3A_74 = tpu.memref_slice %arg4[%mul3A_2, %dma_wait3A_73] : memref<819200x64xf32, #tpu.memory_space<hbm>> -> memref<128x64xf32, #tpu.memory_space<hbm>>
    %dma_wait3A_75 = arith.constant 0 : i32
    %dma_wait3A_76 = tpu.memref_slice %arg4[%mul3A_2, %dma_wait3A_75] : memref<819200x64xf32, #tpu.memory_space<hbm>> -> memref<128x64xf32, #tpu.memory_space<hbm>>
    tpu.wait_dma2 semaphore(%arg12 : memref<!tpu.dma_semaphore, #tpu.memory_space<semaphore_mem>>) src(%arg8 : memref<128x64xf32, #tpu.memory_space<vmem>>) dst(%dma_wait3A_76 : memref<128x64xf32, #tpu.memory_space<hbm>>)
    %scan3A_77 = arith.constant 0 : i32
    %scan3A_78 = arith.constant 8.000000e+00 : f32
    %scan3A_79 = arith.constant 0 : i32
    %scan3A_80 = arith.constant 128 : i32
    %scan3A_81 = arith.addi %scan3A_79, %scan3A_80 : i32
    %scan3A_82 = arith.constant 4 : i32
    scf.for %scan3A_122 = %scan3A_79 to %scan3A_81 step %scan3A_82  : i32 {
      %get3A = arith.index_cast %scan3A_122 : i32 to index
      %get3A_123 = arith.constant 0 : index
      %get3A_124 = tpu.vector_load %arg6[%get3A, %get3A_123] {strides = array<i32>} : memref<128x64xf32, #tpu.memory_space<vmem>>, vector<1x16xf32>,
      %get3A_125 = vector.shape_cast %get3A_124 : vector<1x16xf32> to vector<16xf32>
      %mul3A_126 = vector.broadcast %scan3A_78 : f32 to vector<16xf32>
      %mul3A_127 = arith.mulf %get3A_125, %mul3A_126 : vector<16xf32>
      %swap3A = arith.index_cast %scan3A_122 : i32 to index
      %swap3A_128 = arith.constant 0 : index
      %swap3A_129 = tpu.vector_load %arg8[%swap3A, %swap3A_128] {strides = array<i32>} : memref<128x64xf32, #tpu.memory_space<vmem>>, vector<1x16xf32>,
      %swap3A_130 = vector.shape_cast %swap3A_129 : vector<1x16xf32> to vector<16xf32>
      %swap3A_131 = vector.shape_cast %mul3A_127 : vector<16xf32> to vector<1x16xf32>
      tpu.vector_store %arg8[%swap3A, %swap3A_128], %swap3A_131 {strides = array<i32>} : memref<128x64xf32, #tpu.memory_space<vmem>>, vector<1x16xf32>,
      %get3A_132 = arith.index_cast %scan3A_122 : i32 to index
      %get3A_133 = arith.constant 16 : index
      %get3A_134 = tpu.vector_load %arg6[%get3A_132, %get3A_133] {strides = array<i32>} : memref<128x64xf32, #tpu.memory_space<vmem>>, vector<1x16xf32>,
      %get3A_135 = vector.shape_cast %get3A_134 : vector<1x16xf32> to vector<16xf32>
      %mul3A_136 = vector.broadcast %scan3A_78 : f32 to vector<16xf32>
      %mul3A_137 = arith.mulf %get3A_135, %mul3A_136 : vector<16xf32>
      %swap3A_138 = arith.index_cast %scan3A_122 : i32 to index
      %swap3A_139 = arith.constant 16 : index
      %swap3A_140 = tpu.vector_load %arg8[%swap3A_138, %swap3A_139] {strides = array<i32>} : memref<128x64xf32, #tpu.memory_space<vmem>>, vector<1x16xf32>,
      %swap3A_141 = vector.shape_cast %swap3A_140 : vector<1x16xf32> to vector<16xf32>
      %swap3A_142 = vector.shape_cast %mul3A_137 : vector<16xf32> to vector<1x16xf32>
      tpu.vector_store %arg8[%swap3A_138, %swap3A_139], %swap3A_142 {strides = array<i32>} : memref<128x64xf32, #tpu.memory_space<vmem>>, vector<1x16xf32>,
      %get3A_143 = arith.index_cast %scan3A_122 : i32 to index
      %get3A_144 = arith.constant 32 : index
      %get3A_145 = tpu.vector_load %arg6[%get3A_143, %get3A_144] {strides = array<i32>} : memref<128x64xf32, #tpu.memory_space<vmem>>, vector<1x16xf32>,
      %get3A_146 = vector.shape_cast %get3A_145 : vector<1x16xf32> to vector<16xf32>
      %mul3A_147 = vector.broadcast %scan3A_78 : f32 to vector<16xf32>
      %mul3A_148 = arith.mulf %get3A_146, %mul3A_147 : vector<16xf32>
      %swap3A_149 = arith.index_cast %scan3A_122 : i32 to index
      %swap3A_150 = arith.constant 32 : index
      %swap3A_151 = tpu.vector_load %arg8[%swap3A_149, %swap3A_150] {strides = array<i32>} : memref<128x64xf32, #tpu.memory_space<vmem>>, vector<1x16xf32>,
      %swap3A_152 = vector.shape_cast %swap3A_151 : vector<1x16xf32> to vector<16xf32>
      %swap3A_153 = vector.shape_cast %mul3A_148 : vector<16xf32> to vector<1x16xf32>
      tpu.vector_store %arg8[%swap3A_149, %swap3A_150], %swap3A_153 {strides = array<i32>} : memref<128x64xf32, #tpu.memory_space<vmem>>, vector<1x16xf32>,
      %get3A_154 = arith.index_cast %scan3A_122 : i32 to index
      %get3A_155 = arith.constant 48 : index
      %get3A_156 = tpu.vector_load %arg6[%get3A_154, %get3A_155] {strides = array<i32>} : memref<128x64xf32, #tpu.memory_space<vmem>>, vector<1x16xf32>,
      %get3A_157 = vector.shape_cast %get3A_156 : vector<1x16xf32> to vector<16xf32>
      %mul3A_158 = vector.broadcast %scan3A_78 : f32 to vector<16xf32>
      %mul3A_159 = arith.mulf %get3A_157, %mul3A_158 : vector<16xf32>
      %swap3A_160 = arith.index_cast %scan3A_122 : i32 to index
      %swap3A_161 = arith.constant 48 : index
      %swap3A_162 = tpu.vector_load %arg8[%swap3A_160, %swap3A_161] {strides = array<i32>} : memref<128x64xf32, #tpu.memory_space<vmem>>, vector<1x16xf32>,
      %swap3A_163 = vector.shape_cast %swap3A_162 : vector<1x16xf32> to vector<16xf32>
      %swap3A_164 = vector.shape_cast %mul3A_159 : vector<16xf32> to vector<1x16xf32>
      tpu.vector_store %arg8[%swap3A_160, %swap3A_161], %swap3A_164 {strides = array<i32>} : memref<128x64xf32, #tpu.memory_space<vmem>>, vector<1x16xf32>,
      %scan3A_165 = arith.constant 1 : i32
      %scan3A_166 = arith.addi %scan3A_122, %scan3A_165 : i32
      %get3A_167 = arith.index_cast %scan3A_166 : i32 to index
      %get3A_168 = arith.constant 0 : index
      %get3A_169 = tpu.vector_load %arg6[%get3A_167, %get3A_168] {strides = array<i32>} : memref<128x64xf32, #tpu.memory_space<vmem>>, vector<1x16xf32>,
      %get3A_170 = vector.shape_cast %get3A_169 : vector<1x16xf32> to vector<16xf32>
      %mul3A_171 = vector.broadcast %scan3A_78 : f32 to vector<16xf32>
      %mul3A_172 = arith.mulf %get3A_170, %mul3A_171 : vector<16xf32>
      %swap3A_173 = arith.index_cast %scan3A_166 : i32 to index
      %swap3A_174 = arith.constant 0 : index
      %swap3A_175 = tpu.vector_load %arg8[%swap3A_173, %swap3A_174] {strides = array<i32>} : memref<128x64xf32, #tpu.memory_space<vmem>>, vector<1x16xf32>,
      %swap3A_176 = vector.shape_cast %swap3A_175 : vector<1x16xf32> to vector<16xf32>
      %swap3A_177 = vector.shape_cast %mul3A_172 : vector<16xf32> to vector<1x16xf32>
      tpu.vector_store %arg8[%swap3A_173, %swap3A_174], %swap3A_177 {strides = array<i32>} : memref<128x64xf32, #tpu.memory_space<vmem>>, vector<1x16xf32>,
      %get3A_178 = arith.index_cast %scan3A_166 : i32 to index
      %get3A_179 = arith.constant 16 : index
      %get3A_180 = tpu.vector_load %arg6[%get3A_178, %get3A_179] {strides = array<i32>} : memref<128x64xf32, #tpu.memory_space<vmem>>, vector<1x16xf32>,
      %get3A_181 = vector.shape_cast %get3A_180 : vector<1x16xf32> to vector<16xf32>
      %mul3A_182 = vector.broadcast %scan3A_78 : f32 to vector<16xf32>
      %mul3A_183 = arith.mulf %get3A_181, %mul3A_182 : vector<16xf32>
      %swap3A_184 = arith.index_cast %scan3A_166 : i32 to index
      %swap3A_185 = arith.constant 16 : index
      %swap3A_186 = tpu.vector_load %arg8[%swap3A_184, %swap3A_185] {strides = array<i32>} : memref<128x64xf32, #tpu.memory_space<vmem>>, vector<1x16xf32>,
      %swap3A_187 = vector.shape_cast %swap3A_186 : vector<1x16xf32> to vector<16xf32>
      %swap3A_188 = vector.shape_cast %mul3A_183 : vector<16xf32> to vector<1x16xf32>
      tpu.vector_store %arg8[%swap3A_184, %swap3A_185], %swap3A_188 {strides = array<i32>} : memref<128x64xf32, #tpu.memory_space<vmem>>, vector<1x16xf32>,
      %get3A_189 = arith.index_cast %scan3A_166 : i32 to index
      %get3A_190 = arith.constant 32 : index
      %get3A_191 = tpu.vector_load %arg6[%get3A_189, %get3A_190] {strides = array<i32>} : memref<128x64xf32, #tpu.memory_space<vmem>>, vector<1x16xf32>,
      %get3A_192 = vector.shape_cast %get3A_191 : vector<1x16xf32> to vector<16xf32>
      %mul3A_193 = vector.broadcast %scan3A_78 : f32 to vector<16xf32>
      %mul3A_194 = arith.mulf %get3A_192, %mul3A_193 : vector<16xf32>
      %swap3A_195 = arith.index_cast %scan3A_166 : i32 to index
      %swap3A_196 = arith.constant 32 : index
      %swap3A_197 = tpu.vector_load %arg8[%swap3A_195, %swap3A_196] {strides = array<i32>} : memref<128x64xf32, #tpu.memory_space<vmem>>, vector<1x16xf32>,
      %swap3A_198 = vector.shape_cast %swap3A_197 : vector<1x16xf32> to vector<16xf32>
      %swap3A_199 = vector.shape_cast %mul3A_194 : vector<16xf32> to vector<1x16xf32>
      tpu.vector_store %arg8[%swap3A_195, %swap3A_196], %swap3A_199 {strides = array<i32>} : memref<128x64xf32, #tpu.memory_space<vmem>>, vector<1x16xf32>,
      %get3A_200 = arith.index_cast %scan3A_166 : i32 to index
      %get3A_201 = arith.constant 48 : index
      %get3A_202 = tpu.vector_load %arg6[%get3A_200, %get3A_201] {strides = array<i32>} : memref<128x64xf32, #tpu.memory_space<vmem>>, vector<1x16xf32>,
      %get3A_203 = vector.shape_cast %get3A_202 : vector<1x16xf32> to vector<16xf32>
      %mul3A_204 = vector.broadcast %scan3A_78 : f32 to vector<16xf32>
      %mul3A_205 = arith.mulf %get3A_203, %mul3A_204 : vector<16xf32>
      %swap3A_206 = arith.index_cast %scan3A_166 : i32 to index
      %swap3A_207 = arith.constant 48 : index
      %swap3A_208 = tpu.vector_load %arg8[%swap3A_206, %swap3A_207] {strides = array<i32>} : memref<128x64xf32, #tpu.memory_space<vmem>>, vector<1x16xf32>,
      %swap3A_209 = vector.shape_cast %swap3A_208 : vector<1x16xf32> to vector<16xf32>
      %swap3A_210 = vector.shape_cast %mul3A_205 : vector<16xf32> to vector<1x16xf32>
      tpu.vector_store %arg8[%swap3A_206, %swap3A_207], %swap3A_210 {strides = array<i32>} : memref<128x64xf32, #tpu.memory_space<vmem>>, vector<1x16xf32>,
      %scan3A_211 = arith.constant 2 : i32
      %scan3A_212 = arith.addi %scan3A_122, %scan3A_211 : i32
      %get3A_213 = arith.index_cast %scan3A_212 : i32 to index
      %get3A_214 = arith.constant 0 : index
      %get3A_215 = tpu.vector_load %arg6[%get3A_213, %get3A_214] {strides = array<i32>} : memref<128x64xf32, #tpu.memory_space<vmem>>, vector<1x16xf32>,
      %get3A_216 = vector.shape_cast %get3A_215 : vector<1x16xf32> to vector<16xf32>
      %mul3A_217 = vector.broadcast %scan3A_78 : f32 to vector<16xf32>
      %mul3A_218 = arith.mulf %get3A_216, %mul3A_217 : vector<16xf32>
      %swap3A_219 = arith.index_cast %scan3A_212 : i32 to index
      %swap3A_220 = arith.constant 0 : index
      %swap3A_221 = tpu.vector_load %arg8[%swap3A_219, %swap3A_220] {strides = array<i32>} : memref<128x64xf32, #tpu.memory_space<vmem>>, vector<1x16xf32>,
      %swap3A_222 = vector.shape_cast %swap3A_221 : vector<1x16xf32> to vector<16xf32>
      %swap3A_223 = vector.shape_cast %mul3A_218 : vector<16xf32> to vector<1x16xf32>
      tpu.vector_store %arg8[%swap3A_219, %swap3A_220], %swap3A_223 {strides = array<i32>} : memref<128x64xf32, #tpu.memory_space<vmem>>, vector<1x16xf32>,
      %get3A_224 = arith.index_cast %scan3A_212 : i32 to index
      %get3A_225 = arith.constant 16 : index
      %get3A_226 = tpu.vector_load %arg6[%get3A_224, %get3A_225] {strides = array<i32>} : memref<128x64xf32, #tpu.memory_space<vmem>>, vector<1x16xf32>,
      %get3A_227 = vector.shape_cast %get3A_226 : vector<1x16xf32> to vector<16xf32>
      %mul3A_228 = vector.broadcast %scan3A_78 : f32 to vector<16xf32>
      %mul3A_229 = arith.mulf %get3A_227, %mul3A_228 : vector<16xf32>
      %swap3A_230 = arith.index_cast %scan3A_212 : i32 to index
      %swap3A_231 = arith.constant 16 : index
      %swap3A_232 = tpu.vector_load %arg8[%swap3A_230, %swap3A_231] {strides = array<i32>} : memref<128x64xf32, #tpu.memory_space<vmem>>, vector<1x16xf32>,
      %swap3A_233 = vector.shape_cast %swap3A_232 : vector<1x16xf32> to vector<16xf32>
      %swap3A_234 = vector.shape_cast %mul3A_229 : vector<16xf32> to vector<1x16xf32>
      tpu.vector_store %arg8[%swap3A_230, %swap3A_231], %swap3A_234 {strides = array<i32>} : memref<128x64xf32, #tpu.memory_space<vmem>>, vector<1x16xf32>,
      %get3A_235 = arith.index_cast %scan3A_212 : i32 to index
      %get3A_236 = arith.constant 32 : index
      %get3A_237 = tpu.vector_load %arg6[%get3A_235, %get3A_236] {strides = array<i32>} : memref<128x64xf32, #tpu.memory_space<vmem>>, vector<1x16xf32>,
      %get3A_238 = vector.shape_cast %get3A_237 : vector<1x16xf32> to vector<16xf32>
      %mul3A_239 = vector.broadcast %scan3A_78 : f32 to vector<16xf32>
      %mul3A_240 = arith.mulf %get3A_238, %mul3A_239 : vector<16xf32>
      %swap3A_241 = arith.index_cast %scan3A_212 : i32 to index
      %swap3A_242 = arith.constant 32 : index
      %swap3A_243 = tpu.vector_load %arg8[%swap3A_241, %swap3A_242] {strides = array<i32>} : memref<128x64xf32, #tpu.memory_space<vmem>>, vector<1x16xf32>,
      %swap3A_244 = vector.shape_cast %swap3A_243 : vector<1x16xf32> to vector<16xf32>
      %swap3A_245 = vector.shape_cast %mul3A_240 : vector<16xf32> to vector<1x16xf32>
      tpu.vector_store %arg8[%swap3A_241, %swap3A_242], %swap3A_245 {strides = array<i32>} : memref<128x64xf32, #tpu.memory_space<vmem>>, vector<1x16xf32>,
      %get3A_246 = arith.index_cast %scan3A_212 : i32 to index
      %get3A_247 = arith.constant 48 : index
      %get3A_248 = tpu.vector_load %arg6[%get3A_246, %get3A_247] {strides = array<i32>} : memref<128x64xf32, #tpu.memory_space<vmem>>, vector<1x16xf32>,
      %get3A_249 = vector.shape_cast %get3A_248 : vector<1x16xf32> to vector<16xf32>
      %mul3A_250 = vector.broadcast %scan3A_78 : f32 to vector<16xf32>
      %mul3A_251 = arith.mulf %get3A_249, %mul3A_250 : vector<16xf32>
      %swap3A_252 = arith.index_cast %scan3A_212 : i32 to index
      %swap3A_253 = arith.constant 48 : index
      %swap3A_254 = tpu.vector_load %arg8[%swap3A_252, %swap3A_253] {strides = array<i32>} : memref<128x64xf32, #tpu.memory_space<vmem>>, vector<1x16xf32>,
      %swap3A_255 = vector.shape_cast %swap3A_254 : vector<1x16xf32> to vector<16xf32>
      %swap3A_256 = vector.shape_cast %mul3A_251 : vector<16xf32> to vector<1x16xf32>
      tpu.vector_store %arg8[%swap3A_252, %swap3A_253], %swap3A_256 {strides = array<i32>} : memref<128x64xf32, #tpu.memory_space<vmem>>, vector<1x16xf32>,
      %scan3A_257 = arith.constant 3 : i32
      %scan3A_258 = arith.addi %scan3A_122, %scan3A_257 : i32
      %get3A_259 = arith.index_cast %scan3A_258 : i32 to index
      %get3A_260 = arith.constant 0 : index
      %get3A_261 = tpu.vector_load %arg6[%get3A_259, %get3A_260] {strides = array<i32>} : memref<128x64xf32, #tpu.memory_space<vmem>>, vector<1x16xf32>,
      %get3A_262 = vector.shape_cast %get3A_261 : vector<1x16xf32> to vector<16xf32>
      %mul3A_263 = vector.broadcast %scan3A_78 : f32 to vector<16xf32>
      %mul3A_264 = arith.mulf %get3A_262, %mul3A_263 : vector<16xf32>
      %swap3A_265 = arith.index_cast %scan3A_258 : i32 to index
      %swap3A_266 = arith.constant 0 : index
      %swap3A_267 = tpu.vector_load %arg8[%swap3A_265, %swap3A_266] {strides = array<i32>} : memref<128x64xf32, #tpu.memory_space<vmem>>, vector<1x16xf32>,
      %swap3A_268 = vector.shape_cast %swap3A_267 : vector<1x16xf32> to vector<16xf32>
      %swap3A_269 = vector.shape_cast %mul3A_264 : vector<16xf32> to vector<1x16xf32>
      tpu.vector_store %arg8[%swap3A_265, %swap3A_266], %swap3A_269 {strides = array<i32>} : memref<128x64xf32, #tpu.memory_space<vmem>>, vector<1x16xf32>,
      %get3A_270 = arith.index_cast %scan3A_258 : i32 to index
      %get3A_271 = arith.constant 16 : index
      %get3A_272 = tpu.vector_load %arg6[%get3A_270, %get3A_271] {strides = array<i32>} : memref<128x64xf32, #tpu.memory_space<vmem>>, vector<1x16xf32>,
      %get3A_273 = vector.shape_cast %get3A_272 : vector<1x16xf32> to vector<16xf32>
      %mul3A_274 = vector.broadcast %scan3A_78 : f32 to vector<16xf32>
      %mul3A_275 = arith.mulf %get3A_273, %mul3A_274 : vector<16xf32>
      %swap3A_276 = arith.index_cast %scan3A_258 : i32 to index
      %swap3A_277 = arith.constant 16 : index
      %swap3A_278 = tpu.vector_load %arg8[%swap3A_276, %swap3A_277] {strides = array<i32>} : memref<128x64xf32, #tpu.memory_space<vmem>>, vector<1x16xf32>,
      %swap3A_279 = vector.shape_cast %swap3A_278 : vector<1x16xf32> to vector<16xf32>
      %swap3A_280 = vector.shape_cast %mul3A_275 : vector<16xf32> to vector<1x16xf32>
      tpu.vector_store %arg8[%swap3A_276, %swap3A_277], %swap3A_280 {strides = array<i32>} : memref<128x64xf32, #tpu.memory_space<vmem>>, vector<1x16xf32>,
      %get3A_281 = arith.index_cast %scan3A_258 : i32 to index
      %get3A_282 = arith.constant 32 : index
      %get3A_283 = tpu.vector_load %arg6[%get3A_281, %get3A_282] {strides = array<i32>} : memref<128x64xf32, #tpu.memory_space<vmem>>, vector<1x16xf32>,
      %get3A_284 = vector.shape_cast %get3A_283 : vector<1x16xf32> to vector<16xf32>
      %mul3A_285 = vector.broadcast %scan3A_78 : f32 to vector<16xf32>
      %mul3A_286 = arith.mulf %get3A_284, %mul3A_285 : vector<16xf32>
      %swap3A_287 = arith.index_cast %scan3A_258 : i32 to index
      %swap3A_288 = arith.constant 32 : index
      %swap3A_289 = tpu.vector_load %arg8[%swap3A_287, %swap3A_288] {strides = array<i32>} : memref<128x64xf32, #tpu.memory_space<vmem>>, vector<1x16xf32>,
      %swap3A_290 = vector.shape_cast %swap3A_289 : vector<1x16xf32> to vector<16xf32>
      %swap3A_291 = vector.shape_cast %mul3A_286 : vector<16xf32> to vector<1x16xf32>
      tpu.vector_store %arg8[%swap3A_287, %swap3A_288], %swap3A_291 {strides = array<i32>} : memref<128x64xf32, #tpu.memory_space<vmem>>, vector<1x16xf32>,
      %get3A_292 = arith.index_cast %scan3A_258 : i32 to index
      %get3A_293 = arith.constant 48 : index
      %get3A_294 = tpu.vector_load %arg6[%get3A_292, %get3A_293] {strides = array<i32>} : memref<128x64xf32, #tpu.memory_space<vmem>>, vector<1x16xf32>,
      %get3A_295 = vector.shape_cast %get3A_294 : vector<1x16xf32> to vector<16xf32>
      %mul3A_296 = vector.broadcast %scan3A_78 : f32 to vector<16xf32>
      %mul3A_297 = arith.mulf %get3A_295, %mul3A_296 : vector<16xf32>
      %swap3A_298 = arith.index_cast %scan3A_258 : i32 to index
      %swap3A_299 = arith.constant 48 : index
      %swap3A_300 = tpu.vector_load %arg8[%swap3A_298, %swap3A_299] {strides = array<i32>} : memref<128x64xf32, #tpu.memory_space<vmem>>, vector<1x16xf32>,
      %swap3A_301 = vector.shape_cast %swap3A_300 : vector<1x16xf32> to vector<16xf32>
      %swap3A_302 = vector.shape_cast %mul3A_297 : vector<16xf32> to vector<1x16xf32>
      tpu.vector_store %arg8[%swap3A_298, %swap3A_299], %swap3A_302 {strides = array<i32>} : memref<128x64xf32, #tpu.memory_space<vmem>>, vector<1x16xf32>,
    }
    %scan3A_83 = arith.constant 128 : i32
    %multiple_of3A_84 = arith.constant 25344 : i32
    %multiple_of3A_85 = tpu.assume_multiple %multiple_of3A_84, 128 : i32
    %add3A_86 = arith.addi %mul3A_2, %multiple_of3A_85 : i32
    %dma_start3A_87 = arith.constant 0 : i32
    %dma_start3A_88 = tpu.memref_slice %arg4[%add3A_86, %dma_start3A_87] : memref<819200x64xf32, #tpu.memory_space<hbm>> -> memref<128x64xf32, #tpu.memory_space<hbm>>
    %dma_start3A_89 = arith.constant 0 : i32
    %dma_start3A_90 = tpu.memref_slice %arg4[%add3A_86, %dma_start3A_89] : memref<819200x64xf32, #tpu.memory_space<hbm>> -> memref<128x64xf32, #tpu.memory_space<hbm>>
    tpu.enqueue_dma source(%arg8 : memref<128x64xf32, #tpu.memory_space<vmem>>) target(%dma_start3A_90 : memref<128x64xf32, #tpu.memory_space<hbm>>) target_semaphore(%arg12 : memref<!tpu.dma_semaphore, #tpu.memory_space<semaphore_mem>>)
    %dma_wait3A_91 = arith.constant 0 : i32
    %dma_wait3A_92 = tpu.memref_slice %arg5[%dma_wait3A_91] : memref<25600xi32, #tpu.memory_space<vmem>> -> memref<128xi32, #tpu.memory_space<vmem>>
    %dma_wait3A_93 = arith.constant 0 : i32
    %dma_wait3A_94 = arith.constant 0 : i32
    %dma_wait3A_95 = tpu.memref_slice %arg2[%dma_wait3A_93, %dma_wait3A_94] : memref<1000000x64xf32, #tpu.memory_space<hbm>> -> memref<1000000x64xf32, #tpu.memory_space<hbm>>
    tpu.wait_indirect_dma semaphore(%arg11 : memref<!tpu.dma_semaphore, #tpu.memory_space<semaphore_mem>>) src(%dma_wait3A_95 : memref<1000000x64xf32, #tpu.memory_space<hbm>>) dst(%arg7 : memref<128x64xf32, #tpu.memory_space<vmem>>)
    %dma_wait3A_96 = arith.constant 0 : i32
    %dma_wait3A_97 = tpu.memref_slice %arg4[%mul3A_2, %dma_wait3A_96] : memref<819200x64xf32, #tpu.memory_space<hbm>> -> memref<128x64xf32, #tpu.memory_space<hbm>>
    %dma_wait3A_98 = arith.constant 0 : i32
    %dma_wait3A_99 = tpu.memref_slice %arg4[%mul3A_2, %dma_wait3A_98] : memref<819200x64xf32, #tpu.memory_space<hbm>> -> memref<128x64xf32, #tpu.memory_space<hbm>>
    tpu.wait_dma2 semaphore(%arg13 : memref<!tpu.dma_semaphore, #tpu.memory_space<semaphore_mem>>) src(%arg9 : memref<128x64xf32, #tpu.memory_space<vmem>>) dst(%dma_wait3A_99 : memref<128x64xf32, #tpu.memory_space<hbm>>)
    %scan3A_100 = arith.constant 0 : i32
    %scan3A_101 = arith.constant 8.000000e+00 : f32
    %scan3A_102 = arith.constant 0 : i32
    %scan3A_103 = arith.constant 128 : i32
    %scan3A_104 = arith.addi %scan3A_102, %scan3A_103 : i32
    %scan3A_105 = arith.constant 4 : i32
    scf.for %scan3A_122 = %scan3A_102 to %scan3A_104 step %scan3A_105  : i32 {
      %get3A = arith.index_cast %scan3A_122 : i32 to index
      %get3A_123 = arith.constant 0 : index
      %get3A_124 = tpu.vector_load %arg7[%get3A, %get3A_123] {strides = array<i32>} : memref<128x64xf32, #tpu.memory_space<vmem>>, vector<1x16xf32>,
      %get3A_125 = vector.shape_cast %get3A_124 : vector<1x16xf32> to vector<16xf32>
      %mul3A_126 = vector.broadcast %scan3A_101 : f32 to vector<16xf32>
      %mul3A_127 = arith.mulf %get3A_125, %mul3A_126 : vector<16xf32>
      %swap3A = arith.index_cast %scan3A_122 : i32 to index
      %swap3A_128 = arith.constant 0 : index
      %swap3A_129 = tpu.vector_load %arg9[%swap3A, %swap3A_128] {strides = array<i32>} : memref<128x64xf32, #tpu.memory_space<vmem>>, vector<1x16xf32>,
      %swap3A_130 = vector.shape_cast %swap3A_129 : vector<1x16xf32> to vector<16xf32>
      %swap3A_131 = vector.shape_cast %mul3A_127 : vector<16xf32> to vector<1x16xf32>
      tpu.vector_store %arg9[%swap3A, %swap3A_128], %swap3A_131 {strides = array<i32>} : memref<128x64xf32, #tpu.memory_space<vmem>>, vector<1x16xf32>,
      %get3A_132 = arith.index_cast %scan3A_122 : i32 to index
      %get3A_133 = arith.constant 16 : index
      %get3A_134 = tpu.vector_load %arg7[%get3A_132, %get3A_133] {strides = array<i32>} : memref<128x64xf32, #tpu.memory_space<vmem>>, vector<1x16xf32>,
      %get3A_135 = vector.shape_cast %get3A_134 : vector<1x16xf32> to vector<16xf32>
      %mul3A_136 = vector.broadcast %scan3A_101 : f32 to vector<16xf32>
      %mul3A_137 = arith.mulf %get3A_135, %mul3A_136 : vector<16xf32>
      %swap3A_138 = arith.index_cast %scan3A_122 : i32 to index
      %swap3A_139 = arith.constant 16 : index
      %swap3A_140 = tpu.vector_load %arg9[%swap3A_138, %swap3A_139] {strides = array<i32>} : memref<128x64xf32, #tpu.memory_space<vmem>>, vector<1x16xf32>,
      %swap3A_141 = vector.shape_cast %swap3A_140 : vector<1x16xf32> to vector<16xf32>
      %swap3A_142 = vector.shape_cast %mul3A_137 : vector<16xf32> to vector<1x16xf32>
      tpu.vector_store %arg9[%swap3A_138, %swap3A_139], %swap3A_142 {strides = array<i32>} : memref<128x64xf32, #tpu.memory_space<vmem>>, vector<1x16xf32>,
      %get3A_143 = arith.index_cast %scan3A_122 : i32 to index
      %get3A_144 = arith.constant 32 : index
      %get3A_145 = tpu.vector_load %arg7[%get3A_143, %get3A_144] {strides = array<i32>} : memref<128x64xf32, #tpu.memory_space<vmem>>, vector<1x16xf32>,
      %get3A_146 = vector.shape_cast %get3A_145 : vector<1x16xf32> to vector<16xf32>
      %mul3A_147 = vector.broadcast %scan3A_101 : f32 to vector<16xf32>
      %mul3A_148 = arith.mulf %get3A_146, %mul3A_147 : vector<16xf32>
      %swap3A_149 = arith.index_cast %scan3A_122 : i32 to index
      %swap3A_150 = arith.constant 32 : index
      %swap3A_151 = tpu.vector_load %arg9[%swap3A_149, %swap3A_150] {strides = array<i32>} : memref<128x64xf32, #tpu.memory_space<vmem>>, vector<1x16xf32>,
      %swap3A_152 = vector.shape_cast %swap3A_151 : vector<1x16xf32> to vector<16xf32>
      %swap3A_153 = vector.shape_cast %mul3A_148 : vector<16xf32> to vector<1x16xf32>
      tpu.vector_store %arg9[%swap3A_149, %swap3A_150], %swap3A_153 {strides = array<i32>} : memref<128x64xf32, #tpu.memory_space<vmem>>, vector<1x16xf32>,
      %get3A_154 = arith.index_cast %scan3A_122 : i32 to index
      %get3A_155 = arith.constant 48 : index
      %get3A_156 = tpu.vector_load %arg7[%get3A_154, %get3A_155] {strides = array<i32>} : memref<128x64xf32, #tpu.memory_space<vmem>>, vector<1x16xf32>,
      %get3A_157 = vector.shape_cast %get3A_156 : vector<1x16xf32> to vector<16xf32>
      %mul3A_158 = vector.broadcast %scan3A_101 : f32 to vector<16xf32>
      %mul3A_159 = arith.mulf %get3A_157, %mul3A_158 : vector<16xf32>
      %swap3A_160 = arith.index_cast %scan3A_122 : i32 to index
      %swap3A_161 = arith.constant 48 : index
      %swap3A_162 = tpu.vector_load %arg9[%swap3A_160, %swap3A_161] {strides = array<i32>} : memref<128x64xf32, #tpu.memory_space<vmem>>, vector<1x16xf32>,
      %swap3A_163 = vector.shape_cast %swap3A_162 : vector<1x16xf32> to vector<16xf32>
      %swap3A_164 = vector.shape_cast %mul3A_159 : vector<16xf32> to vector<1x16xf32>
      tpu.vector_store %arg9[%swap3A_160, %swap3A_161], %swap3A_164 {strides = array<i32>} : memref<128x64xf32, #tpu.memory_space<vmem>>, vector<1x16xf32>,
      %scan3A_165 = arith.constant 1 : i32
      %scan3A_166 = arith.addi %scan3A_122, %scan3A_165 : i32
      %get3A_167 = arith.index_cast %scan3A_166 : i32 to index
      %get3A_168 = arith.constant 0 : index
      %get3A_169 = tpu.vector_load %arg7[%get3A_167, %get3A_168] {strides = array<i32>} : memref<128x64xf32, #tpu.memory_space<vmem>>, vector<1x16xf32>,
      %get3A_170 = vector.shape_cast %get3A_169 : vector<1x16xf32> to vector<16xf32>
      %mul3A_171 = vector.broadcast %scan3A_101 : f32 to vector<16xf32>
      %mul3A_172 = arith.mulf %get3A_170, %mul3A_171 : vector<16xf32>
      %swap3A_173 = arith.index_cast %scan3A_166 : i32 to index
      %swap3A_174 = arith.constant 0 : index
      %swap3A_175 = tpu.vector_load %arg9[%swap3A_173, %swap3A_174] {strides = array<i32>} : memref<128x64xf32, #tpu.memory_space<vmem>>, vector<1x16xf32>,
      %swap3A_176 = vector.shape_cast %swap3A_175 : vector<1x16xf32> to vector<16xf32>
      %swap3A_177 = vector.shape_cast %mul3A_172 : vector<16xf32> to vector<1x16xf32>
      tpu.vector_store %arg9[%swap3A_173, %swap3A_174], %swap3A_177 {strides = array<i32>} : memref<128x64xf32, #tpu.memory_space<vmem>>, vector<1x16xf32>,
      %get3A_178 = arith.index_cast %scan3A_166 : i32 to index
      %get3A_179 = arith.constant 16 : index
      %get3A_180 = tpu.vector_load %arg7[%get3A_178, %get3A_179] {strides = array<i32>} : memref<128x64xf32, #tpu.memory_space<vmem>>, vector<1x16xf32>,
      %get3A_181 = vector.shape_cast %get3A_180 : vector<1x16xf32> to vector<16xf32>
      %mul3A_182 = vector.broadcast %scan3A_101 : f32 to vector<16xf32>
      %mul3A_183 = arith.mulf %get3A_181, %mul3A_182 : vector<16xf32>
      %swap3A_184 = arith.index_cast %scan3A_166 : i32 to index
      %swap3A_185 = arith.constant 16 : index
      %swap3A_186 = tpu.vector_load %arg9[%swap3A_184, %swap3A_185] {strides = array<i32>} : memref<128x64xf32, #tpu.memory_space<vmem>>, vector<1x16xf32>,
      %swap3A_187 = vector.shape_cast %swap3A_186 : vector<1x16xf32> to vector<16xf32>
      %swap3A_188 = vector.shape_cast %mul3A_183 : vector<16xf32> to vector<1x16xf32>
      tpu.vector_store %arg9[%swap3A_184, %swap3A_185], %swap3A_188 {strides = array<i32>} : memref<128x64xf32, #tpu.memory_space<vmem>>, vector<1x16xf32>,
      %get3A_189 = arith.index_cast %scan3A_166 : i32 to index
      %get3A_190 = arith.constant 32 : index
      %get3A_191 = tpu.vector_load %arg7[%get3A_189, %get3A_190] {strides = array<i32>} : memref<128x64xf32, #tpu.memory_space<vmem>>, vector<1x16xf32>,
      %get3A_192 = vector.shape_cast %get3A_191 : vector<1x16xf32> to vector<16xf32>
      %mul3A_193 = vector.broadcast %scan3A_101 : f32 to vector<16xf32>
      %mul3A_194 = arith.mulf %get3A_192, %mul3A_193 : vector<16xf32>
      %swap3A_195 = arith.index_cast %scan3A_166 : i32 to index
      %swap3A_196 = arith.constant 32 : index
      %swap3A_197 = tpu.vector_load %arg9[%swap3A_195, %swap3A_196] {strides = array<i32>} : memref<128x64xf32, #tpu.memory_space<vmem>>, vector<1x16xf32>,
      %swap3A_198 = vector.shape_cast %swap3A_197 : vector<1x16xf32> to vector<16xf32>
      %swap3A_199 = vector.shape_cast %mul3A_194 : vector<16xf32> to vector<1x16xf32>
      tpu.vector_store %arg9[%swap3A_195, %swap3A_196], %swap3A_199 {strides = array<i32>} : memref<128x64xf32, #tpu.memory_space<vmem>>, vector<1x16xf32>,
      %get3A_200 = arith.index_cast %scan3A_166 : i32 to index
      %get3A_201 = arith.constant 48 : index
      %get3A_202 = tpu.vector_load %arg7[%get3A_200, %get3A_201] {strides = array<i32>} : memref<128x64xf32, #tpu.memory_space<vmem>>, vector<1x16xf32>,
      %get3A_203 = vector.shape_cast %get3A_202 : vector<1x16xf32> to vector<16xf32>
      %mul3A_204 = vector.broadcast %scan3A_101 : f32 to vector<16xf32>
      %mul3A_205 = arith.mulf %get3A_203, %mul3A_204 : vector<16xf32>
      %swap3A_206 = arith.index_cast %scan3A_166 : i32 to index
      %swap3A_207 = arith.constant 48 : index
      %swap3A_208 = tpu.vector_load %arg9[%swap3A_206, %swap3A_207] {strides = array<i32>} : memref<128x64xf32, #tpu.memory_space<vmem>>, vector<1x16xf32>,
      %swap3A_209 = vector.shape_cast %swap3A_208 : vector<1x16xf32> to vector<16xf32>
      %swap3A_210 = vector.shape_cast %mul3A_205 : vector<16xf32> to vector<1x16xf32>
      tpu.vector_store %arg9[%swap3A_206, %swap3A_207], %swap3A_210 {strides = array<i32>} : memref<128x64xf32, #tpu.memory_space<vmem>>, vector<1x16xf32>,
      %scan3A_211 = arith.constant 2 : i32
      %scan3A_212 = arith.addi %scan3A_122, %scan3A_211 : i32
      %get3A_213 = arith.index_cast %scan3A_212 : i32 to index
      %get3A_214 = arith.constant 0 : index
      %get3A_215 = tpu.vector_load %arg7[%get3A_213, %get3A_214] {strides = array<i32>} : memref<128x64xf32, #tpu.memory_space<vmem>>, vector<1x16xf32>,
      %get3A_216 = vector.shape_cast %get3A_215 : vector<1x16xf32> to vector<16xf32>
      %mul3A_217 = vector.broadcast %scan3A_101 : f32 to vector<16xf32>
      %mul3A_218 = arith.mulf %get3A_216, %mul3A_217 : vector<16xf32>
      %swap3A_219 = arith.index_cast %scan3A_212 : i32 to index
      %swap3A_220 = arith.constant 0 : index
      %swap3A_221 = tpu.vector_load %arg9[%swap3A_219, %swap3A_220] {strides = array<i32>} : memref<128x64xf32, #tpu.memory_space<vmem>>, vector<1x16xf32>,
      %swap3A_222 = vector.shape_cast %swap3A_221 : vector<1x16xf32> to vector<16xf32>
      %swap3A_223 = vector.shape_cast %mul3A_218 : vector<16xf32> to vector<1x16xf32>
      tpu.vector_store %arg9[%swap3A_219, %swap3A_220], %swap3A_223 {strides = array<i32>} : memref<128x64xf32, #tpu.memory_space<vmem>>, vector<1x16xf32>,
      %get3A_224 = arith.index_cast %scan3A_212 : i32 to index
      %get3A_225 = arith.constant 16 : index
      %get3A_226 = tpu.vector_load %arg7[%get3A_224, %get3A_225] {strides = array<i32>} : memref<128x64xf32, #tpu.memory_space<vmem>>, vector<1x16xf32>,
      %get3A_227 = vector.shape_cast %get3A_226 : vector<1x16xf32> to vector<16xf32>
      %mul3A_228 = vector.broadcast %scan3A_101 : f32 to vector<16xf32>
      %mul3A_229 = arith.mulf %get3A_227, %mul3A_228 : vector<16xf32>
      %swap3A_230 = arith.index_cast %scan3A_212 : i32 to index
      %swap3A_231 = arith.constant 16 : index
      %swap3A_232 = tpu.vector_load %arg9[%swap3A_230, %swap3A_231] {strides = array<i32>} : memref<128x64xf32, #tpu.memory_space<vmem>>, vector<1x16xf32>,
      %swap3A_233 = vector.shape_cast %swap3A_232 : vector<1x16xf32> to vector<16xf32>
      %swap3A_234 = vector.shape_cast %mul3A_229 : vector<16xf32> to vector<1x16xf32>
      tpu.vector_store %arg9[%swap3A_230, %swap3A_231], %swap3A_234 {strides = array<i32>} : memref<128x64xf32, #tpu.memory_space<vmem>>, vector<1x16xf32>,
      %get3A_235 = arith.index_cast %scan3A_212 : i32 to index
      %get3A_236 = arith.constant 32 : index
      %get3A_237 = tpu.vector_load %arg7[%get3A_235, %get3A_236] {strides = array<i32>} : memref<128x64xf32, #tpu.memory_space<vmem>>, vector<1x16xf32>,
      %get3A_238 = vector.shape_cast %get3A_237 : vector<1x16xf32> to vector<16xf32>
      %mul3A_239 = vector.broadcast %scan3A_101 : f32 to vector<16xf32>
      %mul3A_240 = arith.mulf %get3A_238, %mul3A_239 : vector<16xf32>
      %swap3A_241 = arith.index_cast %scan3A_212 : i32 to index
      %swap3A_242 = arith.constant 32 : index
      %swap3A_243 = tpu.vector_load %arg9[%swap3A_241, %swap3A_242] {strides = array<i32>} : memref<128x64xf32, #tpu.memory_space<vmem>>, vector<1x16xf32>,
      %swap3A_244 = vector.shape_cast %swap3A_243 : vector<1x16xf32> to vector<16xf32>
      %swap3A_245 = vector.shape_cast %mul3A_240 : vector<16xf32> to vector<1x16xf32>
      tpu.vector_store %arg9[%swap3A_241, %swap3A_242], %swap3A_245 {strides = array<i32>} : memref<128x64xf32, #tpu.memory_space<vmem>>, vector<1x16xf32>,
      %get3A_246 = arith.index_cast %scan3A_212 : i32 to index
      %get3A_247 = arith.constant 48 : index
      %get3A_248 = tpu.vector_load %arg7[%get3A_246, %get3A_247] {strides = array<i32>} : memref<128x64xf32, #tpu.memory_space<vmem>>, vector<1x16xf32>,
      %get3A_249 = vector.shape_cast %get3A_248 : vector<1x16xf32> to vector<16xf32>
      %mul3A_250 = vector.broadcast %scan3A_101 : f32 to vector<16xf32>
      %mul3A_251 = arith.mulf %get3A_249, %mul3A_250 : vector<16xf32>
      %swap3A_252 = arith.index_cast %scan3A_212 : i32 to index
      %swap3A_253 = arith.constant 48 : index
      %swap3A_254 = tpu.vector_load %arg9[%swap3A_252, %swap3A_253] {strides = array<i32>} : memref<128x64xf32, #tpu.memory_space<vmem>>, vector<1x16xf32>,
      %swap3A_255 = vector.shape_cast %swap3A_254 : vector<1x16xf32> to vector<16xf32>
      %swap3A_256 = vector.shape_cast %mul3A_251 : vector<16xf32> to vector<1x16xf32>
      tpu.vector_store %arg9[%swap3A_252, %swap3A_253], %swap3A_256 {strides = array<i32>} : memref<128x64xf32, #tpu.memory_space<vmem>>, vector<1x16xf32>,
      %scan3A_257 = arith.constant 3 : i32
      %scan3A_258 = arith.addi %scan3A_122, %scan3A_257 : i32
      %get3A_259 = arith.index_cast %scan3A_258 : i32 to index
      %get3A_260 = arith.constant 0 : index
      %get3A_261 = tpu.vector_load %arg7[%get3A_259, %get3A_260] {strides = array<i32>} : memref<128x64xf32, #tpu.memory_space<vmem>>, vector<1x16xf32>,
      %get3A_262 = vector.shape_cast %get3A_261 : vector<1x16xf32> to vector<16xf32>
      %mul3A_263 = vector.broadcast %scan3A_101 : f32 to vector<16xf32>
      %mul3A_264 = arith.mulf %get3A_262, %mul3A_263 : vector<16xf32>
      %swap3A_265 = arith.index_cast %scan3A_258 : i32 to index
      %swap3A_266 = arith.constant 0 : index
      %swap3A_267 = tpu.vector_load %arg9[%swap3A_265, %swap3A_266] {strides = array<i32>} : memref<128x64xf32, #tpu.memory_space<vmem>>, vector<1x16xf32>,
      %swap3A_268 = vector.shape_cast %swap3A_267 : vector<1x16xf32> to vector<16xf32>
      %swap3A_269 = vector.shape_cast %mul3A_264 : vector<16xf32> to vector<1x16xf32>
      tpu.vector_store %arg9[%swap3A_265, %swap3A_266], %swap3A_269 {strides = array<i32>} : memref<128x64xf32, #tpu.memory_space<vmem>>, vector<1x16xf32>,
      %get3A_270 = arith.index_cast %scan3A_258 : i32 to index
      %get3A_271 = arith.constant 16 : index
      %get3A_272 = tpu.vector_load %arg7[%get3A_270, %get3A_271] {strides = array<i32>} : memref<128x64xf32, #tpu.memory_space<vmem>>, vector<1x16xf32>,
      %get3A_273 = vector.shape_cast %get3A_272 : vector<1x16xf32> to vector<16xf32>
      %mul3A_274 = vector.broadcast %scan3A_101 : f32 to vector<16xf32>
      %mul3A_275 = arith.mulf %get3A_273, %mul3A_274 : vector<16xf32>
      %swap3A_276 = arith.index_cast %scan3A_258 : i32 to index
      %swap3A_277 = arith.constant 16 : index
      %swap3A_278 = tpu.vector_load %arg9[%swap3A_276, %swap3A_277] {strides = array<i32>} : memref<128x64xf32, #tpu.memory_space<vmem>>, vector<1x16xf32>,
      %swap3A_279 = vector.shape_cast %swap3A_278 : vector<1x16xf32> to vector<16xf32>
      %swap3A_280 = vector.shape_cast %mul3A_275 : vector<16xf32> to vector<1x16xf32>
      tpu.vector_store %arg9[%swap3A_276, %swap3A_277], %swap3A_280 {strides = array<i32>} : memref<128x64xf32, #tpu.memory_space<vmem>>, vector<1x16xf32>,
      %get3A_281 = arith.index_cast %scan3A_258 : i32 to index
      %get3A_282 = arith.constant 32 : index
      %get3A_283 = tpu.vector_load %arg7[%get3A_281, %get3A_282] {strides = array<i32>} : memref<128x64xf32, #tpu.memory_space<vmem>>, vector<1x16xf32>,
      %get3A_284 = vector.shape_cast %get3A_283 : vector<1x16xf32> to vector<16xf32>
      %mul3A_285 = vector.broadcast %scan3A_101 : f32 to vector<16xf32>
      %mul3A_286 = arith.mulf %get3A_284, %mul3A_285 : vector<16xf32>
      %swap3A_287 = arith.index_cast %scan3A_258 : i32 to index
      %swap3A_288 = arith.constant 32 : index
      %swap3A_289 = tpu.vector_load %arg9[%swap3A_287, %swap3A_288] {strides = array<i32>} : memref<128x64xf32, #tpu.memory_space<vmem>>, vector<1x16xf32>,
      %swap3A_290 = vector.shape_cast %swap3A_289 : vector<1x16xf32> to vector<16xf32>
      %swap3A_291 = vector.shape_cast %mul3A_286 : vector<16xf32> to vector<1x16xf32>
      tpu.vector_store %arg9[%swap3A_287, %swap3A_288], %swap3A_291 {strides = array<i32>} : memref<128x64xf32, #tpu.memory_space<vmem>>, vector<1x16xf32>,
      %get3A_292 = arith.index_cast %scan3A_258 : i32 to index
      %get3A_293 = arith.constant 48 : index
      %get3A_294 = tpu.vector_load %arg7[%get3A_292, %get3A_293] {strides = array<i32>} : memref<128x64xf32, #tpu.memory_space<vmem>>, vector<1x16xf32>,
      %get3A_295 = vector.shape_cast %get3A_294 : vector<1x16xf32> to vector<16xf32>
      %mul3A_296 = vector.broadcast %scan3A_101 : f32 to vector<16xf32>
      %mul3A_297 = arith.mulf %get3A_295, %mul3A_296 : vector<16xf32>
      %swap3A_298 = arith.index_cast %scan3A_258 : i32 to index
      %swap3A_299 = arith.constant 48 : index
      %swap3A_300 = tpu.vector_load %arg9[%swap3A_298, %swap3A_299] {strides = array<i32>} : memref<128x64xf32, #tpu.memory_space<vmem>>, vector<1x16xf32>,
      %swap3A_301 = vector.shape_cast %swap3A_300 : vector<1x16xf32> to vector<16xf32>
      %swap3A_302 = vector.shape_cast %mul3A_297 : vector<16xf32> to vector<1x16xf32>
      tpu.vector_store %arg9[%swap3A_298, %swap3A_299], %swap3A_302 {strides = array<i32>} : memref<128x64xf32, #tpu.memory_space<vmem>>, vector<1x16xf32>,
    }
    %scan3A_106 = arith.constant 128 : i32
    %multiple_of3A_107 = arith.constant 25472 : i32
    %multiple_of3A_108 = tpu.assume_multiple %multiple_of3A_107, 128 : i32
    %add3A_109 = arith.addi %mul3A_2, %multiple_of3A_108 : i32
    %dma_start3A_110 = arith.constant 0 : i32
    %dma_start3A_111 = tpu.memref_slice %arg4[%add3A_109, %dma_start3A_110] : memref<819200x64xf32, #tpu.memory_space<hbm>> -> memref<128x64xf32, #tpu.memory_space<hbm>>
    %dma_start3A_112 = arith.constant 0 : i32
    %dma_start3A_113 = tpu.memref_slice %arg4[%add3A_109, %dma_start3A_112] : memref<819200x64xf32, #tpu.memory_space<hbm>> -> memref<128x64xf32, #tpu.memory_space<hbm>>
    tpu.enqueue_dma source(%arg9 : memref<128x64xf32, #tpu.memory_space<vmem>>) target(%dma_start3A_113 : memref<128x64xf32, #tpu.memory_space<hbm>>) target_semaphore(%arg13 : memref<!tpu.dma_semaphore, #tpu.memory_space<semaphore_mem>>)
    %dma_wait3A_114 = arith.constant 0 : i32
    %dma_wait3A_115 = tpu.memref_slice %arg4[%mul3A_2, %dma_wait3A_114] : memref<819200x64xf32, #tpu.memory_space<hbm>> -> memref<128x64xf32, #tpu.memory_space<hbm>>
    %dma_wait3A_116 = arith.constant 0 : i32
    %dma_wait3A_117 = tpu.memref_slice %arg4[%mul3A_2, %dma_wait3A_116] : memref<819200x64xf32, #tpu.memory_space<hbm>> -> memref<128x64xf32, #tpu.memory_space<hbm>>
    tpu.wait_dma2 semaphore(%arg12 : memref<!tpu.dma_semaphore, #tpu.memory_space<semaphore_mem>>) src(%arg8 : memref<128x64xf32, #tpu.memory_space<vmem>>) dst(%dma_wait3A_117 : memref<128x64xf32, #tpu.memory_space<hbm>>)
    %dma_wait3A_118 = arith.constant 0 : i32
    %dma_wait3A_119 = tpu.memref_slice %arg4[%mul3A_2, %dma_wait3A_118] : memref<819200x64xf32, #tpu.memory_space<hbm>> -> memref<128x64xf32, #tpu.memory_space<hbm>>
    %dma_wait3A_120 = arith.constant 0 : i32
    %dma_wait3A_121 = tpu.memref_slice %arg4[%mul3A_2, %dma_wait3A_120] : memref<819200x64xf32, #tpu.memory_space<hbm>> -> memref<128x64xf32, #tpu.memory_space<hbm>>
    tpu.wait_dma2 semaphore(%arg13 : memref<!tpu.dma_semaphore, #tpu.memory_space<semaphore_mem>>) src(%arg9 : memref<128x64xf32, #tpu.memory_space<vmem>>) dst(%dma_wait3A_121 : memref<128x64xf32, #tpu.memory_space<hbm>>)
    return
  }
}

</mosaic_0001>

<sc_bundles>
// kernel: kernel.3.cloned.1.call-start
scs
__scs_entry_jumppad:
0x0: {  	(pc) =	sbr.rel $0x88, $3  }
0x1: {  	(tag) =	ssettag $0x0;
	lr =	simm.s32 $0x1  }
0x2: {  	[smem:$0x3F9F] =	sst lr;
	_ =	strace $0xD0000000  }
0x3: {  	_ = 	snop  }
0x4: {  	_ = 	snop  }
0x5: {  	_ = 	snop  }
0x6: {  	_ = 	snop  }
0x7: {  	_ = 	snop  }
__scs_overlays_trampoline_lowered:
0x8: {  	[smem:$0x3FAE] =	sst s0  }
0x9: {  	[smem:$0x3FAF] =	sst s1  }
0xa: {  	[smem:$0x3FB0] =	sst s2  }
0xb: {  	[smem:$0x3FB1] =	sst s3  }
0xc: {  	[smem:$0x3FB2] =	sst s4  }
0xd: {  	[smem:$0x3FB3] =	sst s5  }
0xe: {  	[smem:$0x3FB4] =	sst s6  }
0xf: {  	[smem:$0x3FB5] =	sst s7  }
0x10: {  	[smem:$0x3FB6] =	sst s8  }
0x11: {  	[smem:$0x3FB7] =	sst s9;
	s0 =	simm.s32 @!p0 $0x0  }
0x12: {  	s1 =	sld [smem:$0x3F9D];
	s0 =	simm.s32 @p0 $0x1  }
0x13: {  	[smem:$0x3FB8] =	sst s0;
	s0 =	simm.s32 @!p1 $0x0  }
0x14: {  	s2 =	sld [smem:$0x3F9C];
	s0 =	simm.s32 @p1 $0x1  }
0x15: {  	[smem:$0x3FB9] =	sst s0;
	s0 =	simm.s32 @!p2 $0x0  }
0x16: {  	s3 =	sld [smem:$0x3FDB];
	s0 =	simm.s32 @p2 $0x1  }
0x17: {  	s4 =	simm.s32 $0x1BF5;
	[smem:$0x3FBB] =	sst s0  }
0x18: {  	s0 =	sld [smem:$0x3F9E];
	_ =	swait.ge [sflag:s4], $0x0  }
0x19: {  	s7 =	sld [smem:$0x3F9F]  }
0x1a: {  	s8 =	sadd.s32 $0xFFFFE003, lr  }
0x1b: {  	s9 =	sadd.s32 $0xFFFFFEF7, lr;
	s5 =	simm.s32 $0xFFFFFFFF;
	p2 =	slt.u32 s8, $0xFFFFF086  }
0x1c: {  	p1 =	slt.u32 s9, $0xF7A;
	s5 =	simm.s32 @!p2 $0x0  }
0x1d: {  	s5 =	simm.s32 @p1 $0x1;
	p0 =	seq.s32 s7, s2  }
0x1e: {  	s7 =	smul.u32 @!p0 $0xF7A, s2;
	p2 =	seq.s32 @!p0 s5, $0x0  }
0x1f: {  	s9 =	smul.u32 $0xF7A, s1;
	s8 =	simm.s32 @!p0 $0x1BF5;
	p2 =	por !p2, p0  }
0x20: {  	[sflag:s8] =	ssyncset.s32 @!p0 $0xFFFFF086;
	s6 =	sadd.s32 @!p0 s3, s7;
	s7 =	simm.s32 @!p0 $0x108  }
0x21: {  	s3 =	sadd.s32 s3, s9;
	s6 =	sadd.s32 @!p0 $0x88, s6;
	s7 =	simm.s32 @p2 $0x1082  }
0x22: {  	[simem:s7], [sflag:s8] =	dma.local @!p0 [hbm:s6], $0xF7A  }
0x23: {  	s9 =	sor.u32 $0xD0000000, s2;
	s6 =	simm.s32 $0x108;
	_ =	swait.ge @!p0 [sflag:s8], $0x0  }
0x24: {  	s3 =	sadd.s32 $0x88, s3;
	s6 =	simm.s32 @!p1 $0x1082;
	[sflag:s4] =	ssyncset.s32 $0xFFFFF086  }
0x25: {  	[simem:s6], [sflag:s4] =	dma.local [hbm:s3], $0xF7A  }
0x26: {  	[smem:$0x3F9F] =	sst s1;
	(tag) =	ssettag s2;
	_ =	strace s9  }
0x27: {  	s1 =	sld [smem:$0x3FAF]  }
0x28: {  	s2 =	sld [smem:$0x3FB0]  }
0x29: {  	s4 =	sld [smem:$0x3FB2]  }
0x2a: {  	p0 =	seq.s32 s5, $0x0;
	s5 =	sld [smem:$0x3FB3]  }
0x2b: {  	s6 =	sld [smem:$0x3FB4]  }
0x2c: {  	s7 =	sld [smem:$0x3FB5]  }
0x2d: {  	s3 =	simm.s32 $0x108;
	s8 =	sld [smem:$0x3FB6]  }
0x2e: {  	s3 =	simm.s32 @!p0 $0x1082;
	s9 =	sld [smem:$0x3FB7]  }
0x2f: {  	lr =	sadd.s32 s0, s3;
	s0 =	sld [smem:$0x3FAE]  }
0x30: {  	s3 =	sld [smem:$0x3FB1]  }
0x31: {  	[smem:$0x3FBA] =	sst s10  }
0x32: {  	s10 =	sld [smem:$0x3FB8];
	_ =	sdelay $0x3  }
0x33: {  	p0 =	seq.s32 s10, $0x1;
	s10 =	sld [smem:$0x3FBA];
	_ =	sdelay $0x3  }
0x34: {  	[smem:$0x3FBA] =	sst s10  }
0x35: {  	s10 =	sld [smem:$0x3FB9];
	_ =	sdelay $0x3  }
0x36: {  	p1 =	seq.s32 s10, $0x1;
	s10 =	sld [smem:$0x3FBA];
	_ =	sdelay $0x3  }
0x37: {  	[smem:$0x3FBA] =	sst s10  }
0x38: {  	s10 =	sld [smem:$0x3FBB]  }
0x39: {  	_ = 	snop;
	(pc) =	sbr.ind lr, $3  }
0x3a: {  	_ = 	snop  }
0x3b: {  	_ = 	snop  }
0x3c: {  	p2 =	seq.s32 s10, $0x1;
	s10 =	sld [smem:$0x3FBA]  }
0x3d: {  	_ =	shalt  }
0x3e: {  	_ =	shalt  }
0x3f: {  	_ =	shalt  }
0x40: {  	_ =	shalt  }
0x41: {  	_ =	shalt  }
0x42: {  	_ =	shalt  }
0x43: {  	_ =	shalt  }
0x44: {  	_ =	shalt  }
0x45: {  	_ =	shalt  }
0x46: {  	_ =	shalt  }
0x47: {  	_ =	shalt  }
0x48: {  	_ =	shalt  }
0x49: {  	_ =	shalt  }
0x4a: {  	_ =	shalt  }
0x4b: {  	_ =	shalt  }
0x4c: {  	_ =	shalt  }
0x4d: {  	_ =	shalt  }
0x4e: {  	_ =	shalt  }
0x4f: {  	_ =	shalt  }
0x50: {  	_ =	shalt  }
0x51: {  	_ =	shalt  }
0x52: {  	_ =	shalt  }
0x53: {  	_ =	shalt  }
0x54: {  	_ =	shalt  }
0x55: {  	_ =	shalt  }
0x56: {  	_ =	shalt  }
0x57: {  	_ =	shalt  }
0x58: {  	_ =	shalt  }
0x59: {  	_ =	shalt  }
0x5a: {  	_ =	shalt  }
0x5b: {  	_ =	shalt  }
0x5c: {  	_ =	shalt  }
0x5d: {  	_ =	shalt  }
0x5e: {  	_ =	shalt  }
0x5f: {  	_ =	shalt  }
0x60: {  	_ =	shalt  }
0x61: {  	_ =	shalt  }
0x62: {  	_ =	shalt  }
0x63: {  	_ =	shalt  }
0x64: {  	_ =	shalt  }
0x65: {  	_ =	shalt  }
0x66: {  	_ =	shalt  }
0x67: {  	_ =	shalt  }
0x68: {  	_ =	shalt  }
0x69: {  	_ =	shalt  }
0x6a: {  	_ =	shalt  }
0x6b: {  	_ =	shalt  }
0x6c: {  	_ =	shalt  }
0x6d: {  	_ =	shalt  }
0x6e: {  	_ =	shalt  }
0x6f: {  	_ =	shalt  }
0x70: {  	_ =	shalt  }
0x71: {  	_ =	shalt  }
0x72: {  	_ =	shalt  }
0x73: {  	_ =	shalt  }
0x74: {  	_ =	shalt  }
0x75: {  	_ =	shalt  }
0x76: {  	_ =	shalt  }
0x77: {  	_ =	shalt  }
0x78: {  	_ =	shalt  }
0x79: {  	_ =	shalt  }
0x7a: {  	_ =	shalt  }
0x7b: {  	_ =	shalt  }
0x7c: {  	_ =	shalt  }
0x7d: {  	_ =	shalt  }
0x7e: {  	_ =	shalt  }
0x7f: {  	_ =	shalt  }
0x80: {  	_ =	shalt  }
0x81: {  	_ =	shalt  }
0x82: {  	_ =	shalt  }
0x83: {  	_ =	shalt  }
0x84: {  	_ =	shalt  }
0x85: {  	_ =	shalt  }
0x86: {  	_ =	shalt  }
0x87: {  	_ =	shalt  }
.Lfunc_end0:
.L_simem_size_0:
called_computation.1_lowered:
.L_overlay_start_0:
0x88: {  	s2 =	sld [smem:$0x3FD9]  }
0x89: {  	s3 =	sld [smem:$0x3FFE];
	_ =	sdelay $0x1  }
0x8a: {  	s1 =	srdreg.scid  }
0x8b: {  	s0 =	sand.u32 $0x1, s1  }
0x8c: {  	s17 =	sshll.u32 s0, $0xA;
	s2 =	sadd.s32 s3, s2  }
0x8d: {  	s2 =	sadd.s32 s2, s17  }
0x8e: {  	[smem:$0x3FC6] =	sst s2  }
0x8f: {  	_ = 	snop  }
0x90: {  	s2 =	sld [smem:$0x3FD0];
	(tm) =	ssettm $0x1  }
0x91: {  	s18 =	sld [smem:$0x3FFB];
	_ =	sdelay $0x3  }
0x92: {  	_ =	strace s18  }
0x93: {  	s3 =	sld [smem:$0x3FFC];
	_ =	sdelay $0x3  }
0x94: {  	_ =	strace s3  }
0x95: {  	s3 =	sld [smem:$0x3FFD];
	_ =	sdelay $0x3  }
0x96: {  	_ =	strace s3  }
0x97: {  	_ =	strace $0x8FFFFFFF  }
0x98: {  	s19 =	sld [smem:$0x3FDB];
	_ =	sdelay $0x1  }
0x99: {  	s4 =	simm.s32 $_scs_section_size  }
0x9a: {  	s5 =	simm.s32 $_size__tile_overlayer_lowered;
	s6 =	simm.s32 $_tile_overlayer_lowered  }
0x9b: {  	s22 =	simm.s32 $0x1BFF;
	s21 =	sshll.u32 s6, $0x1;
	s3 =	sadd.s32 s4, s19  }
0x9c: {  	s7 =	simm.s32 $0x0;
	s20 =	sshll.u32 s5, $0x1;
	s5 =	sadd.s32 s21, s3  }
0x9d: {  	[timem:s7], [sflag:s22] =	dma.local [hbm:s5], s20  }
0x9e: {  	_ =	swait.ge [sflag:s22], s20  }
0x9f: {  	s4 =	ssub.s32 $0x0, s20;
	[sflag:s22] =	ssyncset.done $0x0  }
0xa0: {  	[sflag:s22] =	ssyncadd.s32 s4;
	_ =	sdelay $0x1  }
0xa1: {  	s23 =	simm.s32 $0x1B8B  }
0xa2: {  	_ =	swait.ge [sflag:s23], $0x1  }
0xa3: {  	[sflag:s23] =	ssyncset.done $0x0  }
0xa4: {  	s25 =	simm.s32 $0x1B8E;
	s24 =	sld [smem:$0x3FFE];
	[sflag:s23] =	ssyncadd.s32 $0xFFFFFFFF  }
0xa5: {  	s26 =	simm.s32 $execute0_lowered;
	[smem:$0x3FD2] =	sst s25  }
0xa6: {  	s5 =	sshll.u32 s26, $0x1;
	_ =	strace $0x80000046;
	[dreg:$0x1] =	wrdreg $0xFFFFFFFF  }
0xa7: {  	s28 =	simm.s32 $_size_execute0_lowered;
	s3 =	sadd.s32 s3, s5;
	[dreg:$0x0] =	wrdreg $0x0  }
0xa8: {  	s5 =	sshll.u32 s28, $0x1;
	[dreg:$0x2] =	wrdreg s3  }
0xa9: {  	[dreg:$0x3] =	wrdreg s5  }
0xaa: {  	[dreg:$0x4] =	wrdreg $0xC0  }
0xab: {  	_ =	task [dreg:s7], $0x5FFFF  }
0xac: {  	[dreg:$0x1] =	wrdreg $0xFFFFFFFF  }
0xad: {  	[dreg:$0x0] =	wrdreg $0x60  }
0xae: {  	[dreg:$0x2] =	wrdreg s24  }
0xaf: {  	[dreg:$0x3] =	wrdreg s2  }
0xb0: {  	[dreg:$0x4] =	wrdreg $0x9  }
0xb1: {  	_ =	task.clear_ibuf [dreg:s7], $0x5FFFF;
	_ =	strace $0x90000046  }
0xb2: {  	s29 =	simm.s32 $0x9;
	_ =	strace $0x80000048  }
0xb3: {  	_ =	swait.ge [sflag:s29], $0x1  }
0xb4: {  	[sflag:s29] =	ssyncadd.s32 $0xFFFFFFFF  }
0xb5: {  	_ =	strace $0x90000048  }
0xb6: {  	_ =	sfence  }
0xb7: {  	s30 =	sld [smem:$0x0];
	_ =	sdelay $0x2  }
0xb8: {  	s31 =	sshll.u32 s1, $0xD;
	s1 =	sshrl.u32 s1, $0x2  }
0xb9: {  	s3 =	sand.u32 $0x4000, s31;
	s1 =	sadd.s32 s1, s30  }
0xba: {  	s0 =	sor.u32 s3, s0;
	s1 =	sshll.u32 s1, $0x11  }
0xbb: {  	s0 =	sor.u32 s1, s0  }
0xbc: {  	s0 =	sadd.s32 $0x8F2B, s0  }
0xbd: {  	[sflag:s0] =	ssyncadd.remote.s32 $0x1  }
0xbe: {  	_ =	sfence.sel $0xFFFF  }
0xbf: {  	[dreg:$0x0] =	wrdreg $0xFFFFFFFF;
	(pc) =	sbr.abs _section_cstart, $3  }
0xc0: {  	[dreg:$0x1] =	wrdreg $0xFFFFFFFF  }
0xc1: {  	_ =	task.clear_ibuf [dreg:s7], $0x2FFFF;
	_ =	strace $0x9FFFFFFF  }
0xc2: {  	(tm) =	ssettm $0x7FFFFFFF  }
0xc3: {  	_ =	shalt  }
tec
execute0_lowered:
.L_overlay_start_1:
0x0: {  	(tag) =	ssettag $0x1  }
0x1: {  	s6 =	rddreg [dreg:$0x0];
	s1 =	srdreg.scid  }
0x2: {  	s0 =	stileid.u32;
	s2 =	rddreg [dreg:$0x1]  }
0x3: {  	s3 =	simm.s32 $0x0;
	s12 =	simm.s32 $0x5;
	s13 =	simm.s32 $0x80  }
0x4: {  	s14 =	simm.s32 $0x6400;
	s15 =	simm.s32 $0x8400;
	s16 =	simm.s32 $0x1  }
0x5: {  	s17 =	simm.s32 $0x100;
	s18 =	simm.s32 $0xA400;
	s19 =	simm.s32 $0x2  }
0x6: {  	s20 =	simm.s32 $0x180;
	s7 =	sand.u32 $0x1, s1;
	s4 =	sshll.u32 s0, $0x1  }
0x7: {  	s21 =	simm.s32 $0xC400;
	s22 =	simm.s32 $0x3;
	s8 =	sor.u32 s7, s4  }
0x8: {  	s23 =	simm.s32 $0x4;
	s24 =	simm.s32 $0x0;
	s9 =	smul.u32 $0xC80, s8  }
0x9: {  	s1 =	rddreg [dreg:$0x2];
	s7 =	ssub.s32 $0x2, s7;
	s4 =	smul.u32 $0x190000, s8  }
0xa: {  	[smem:$0x7FF] =	sst s3;
	s8 =	smul.u32 $0x32000, s8;
	s31 =	sshrl.u32 s7, $0x1  }
0xb: {  	s5 =	sadd.s32 $0xF42E00, s6;
	_ =	strace $0x80000047;
	s11 =	ssub.s32 s7, s31  }
0xc: {  	s9 =	sadd.s32 s9, s6;
	s10 =	sshrl.u32 s4, $0x3;
	s6 =	sadd.s32 s2, s8  }
0xd: {  	s11 =	smax.u32 s11, $0x1;
	s10 =	sadd.s32 s2, s10;
	s7 =	sadd.s32 $0xA00, s9  }
0xe: {  	s8 =	sadd.s32 $0x400, s6;
	s9 =	sadd.s32 $0x31800, s10;
	s10 =	sadd.s32 $0x31C00, s10  }
.LBB2_1:
0xf: {  	[tilespmem:s3], [sflag:$0x5] =	stream.linear.gather [hbm4b:s7+s3], $0x6400, $0x38;
	[tilespmem:$0xE400] =	vst v63  }
0x10: {  	_ =	swait.ge [sflag:s12], $0x6400  }
0x11: {  	[sflag:s12] =	ssyncset.done $0x0  }
0x12: {  	[sflag:s12] =	ssyncadd.s32 $0xFFFF9C00  }
0x13: {  	[tilespmem:s14], [sflag:$0x1] =	stream.indirect.gather [hbm4b:s5+s13], $0x40, s3, s13, $0xb8;
	[tilespmem:$0xE400] =	vst v63  }
0x14: {  	_ = 	snop  }
0x15: {  	[tilespmem:s15], [sflag:$0x2] =	stream.indirect.gather [hbm4b:s5+s13], $0x40, s13, s13, $0xb8;
	[tilespmem:$0xE400] =	vst v63  }
0x16: {  	_ =	swait.ge [sflag:s16], $0x2000  }
0x17: {  	[sflag:s16] =	ssyncset.done $0x0  }
0x18: {  	s26 =	simm.s32 $0x6480;
	[sflag:s16] =	ssyncadd.s32 $0xFFFFE000  }
0x19: {  	v0 =	vld [tilespmem:s26+$0xFFFFFF80];
	_ =	sdelay $0x4  }
0x1a: {  	v0 =	vmul.f32 $8.000000000e+00, v0  }
0x1b: {  	s25 =	simm.s32 $0xA480  }
0x1c: {  	[tilespmem:s25+$0xFFFFFF80] =	vst v0  }
0x1d: {  	v0 =	vld [tilespmem:s26+$0xFFFFFF90];
	_ =	sdelay $0x4  }
0x1e: {  	v0 =	vmul.f32 $8.000000000e+00, v0;
	_ =	sdelay $0x1  }
0x1f: {  	[tilespmem:s25+$0xFFFFFF90] =	vst v0  }
0x20: {  	v0 =	vld [tilespmem:s26+$0xFFFFFFA0];
	_ =	sdelay $0x4  }
0x21: {  	v0 =	vmul.f32 $8.000000000e+00, v0;
	_ =	sdelay $0x1  }
0x22: {  	[tilespmem:s25+$0xFFFFFFA0] =	vst v0  }
0x23: {  	v0 =	vld [tilespmem:s26+$0xFFFFFFB0];
	_ =	sdelay $0x4  }
0x24: {  	v0 =	vmul.f32 $8.000000000e+00, v0;
	_ =	sdelay $0x1  }
0x25: {  	[tilespmem:s25+$0xFFFFFFB0] =	vst v0  }
0x26: {  	v0 =	vld [tilespmem:s26+$0xFFFFFFC0];
	_ =	sdelay $0x4  }
0x27: {  	v0 =	vmul.f32 $8.000000000e+00, v0;
	_ =	sdelay $0x1  }
0x28: {  	[tilespmem:s25+$0xFFFFFFC0] =	vst v0  }
0x29: {  	v0 =	vld [tilespmem:s26+$0xFFFFFFD0];
	_ =	sdelay $0x4  }
0x2a: {  	v0 =	vmul.f32 $8.000000000e+00, v0;
	_ =	sdelay $0x1  }
0x2b: {  	[tilespmem:s25+$0xFFFFFFD0] =	vst v0  }
0x2c: {  	v0 =	vld [tilespmem:s26+$0xFFFFFFE0];
	_ =	sdelay $0x4  }
0x2d: {  	v0 =	vmul.f32 $8.000000000e+00, v0;
	_ =	sdelay $0x1  }
0x2e: {  	[tilespmem:s25+$0xFFFFFFE0] =	vst v0  }
0x2f: {  	v0 =	vld [tilespmem:s26+$0xFFFFFFF0];
	_ =	sdelay $0x4  }
0x30: {  	v0 =	vmul.f32 $8.000000000e+00, v0;
	_ =	sdelay $0x1  }
0x31: {  	[tilespmem:s25+$0xFFFFFFF0] =	vst v0  }
0x32: {  	v0 =	vld [tilespmem:s26+$0x0];
	_ =	sdelay $0x4  }
0x33: {  	v0 =	vmul.f32 $8.000000000e+00, v0;
	_ =	sdelay $0x1  }
0x34: {  	[tilespmem:s25+$0x0] =	vst v0  }
0x35: {  	v0 =	vld [tilespmem:s26+$0x10];
	_ =	sdelay $0x4  }
0x36: {  	v0 =	vmul.f32 $8.000000000e+00, v0;
	_ =	sdelay $0x1  }
0x37: {  	[tilespmem:s25+$0x10] =	vst v0  }
0x38: {  	v0 =	vld [tilespmem:s26+$0x20];
	_ =	sdelay $0x4  }
0x39: {  	v0 =	vmul.f32 $8.000000000e+00, v0;
	_ =	sdelay $0x1  }
0x3a: {  	[tilespmem:s25+$0x20] =	vst v0  }
0x3b: {  	v0 =	vld [tilespmem:s26+$0x30];
	_ =	sdelay $0x4  }
0x3c: {  	v0 =	vmul.f32 $8.000000000e+00, v0;
	_ =	sdelay $0x1  }
0x3d: {  	[tilespmem:s25+$0x30] =	vst v0  }
0x3e: {  	v0 =	vld [tilespmem:s26+$0x40];
	_ =	sdelay $0x4  }
0x3f: {  	v0 =	vmul.f32 $8.000000000e+00, v0;
	_ =	sdelay $0x1  }
0x40: {  	[tilespmem:s25+$0x40] =	vst v0  }
0x41: {  	v0 =	vld [tilespmem:s26+$0x50];
	_ =	sdelay $0x4  }
0x42: {  	v0 =	vmul.f32 $8.000000000e+00, v0;
	_ =	sdelay $0x1  }
0x43: {  	[tilespmem:s25+$0x50] =	vst v0  }
0x44: {  	v0 =	vld [tilespmem:s26+$0x60];
	_ =	sdelay $0x4  }
0x45: {  	v0 =	vmul.f32 $8.000000000e+00, v0;
	_ =	sdelay $0x1  }
0x46: {  	[tilespmem:s25+$0x60] =	vst v0  }
0x47: {  	v0 =	vld [tilespmem:s26+$0x70];
	_ =	sdelay $0x4  }
0x48: {  	v0 =	vmul.f32 $8.000000000e+00, v0;
	_ =	sdelay $0x1  }
0x49: {  	s28 =	simm.s32 $0x6580;
	s26 =	simm.s32 $0x0;
	[tilespmem:s25+$0x70] =	vst v0  }
.LBB2_2:
0x4a: {  	v0 =	vld [tilespmem:s28+$0xFFFFFF80];
	s26 =	sadd.s32 $0x4, s26  }
0x4b: {  	p0 =	slt.u32 s26, $0x7C;
	_ =	sdelay $0x3  }
0x4c: {  	v0 =	vmul.f32 $8.000000000e+00, v0  }
0x4d: {  	s25 =	sadd.s32 $0x100, s25  }
0x4e: {  	[tilespmem:s25+$0xFFFFFF80] =	vst v0  }
0x4f: {  	v0 =	vld [tilespmem:s28+$0xFFFFFF90];
	_ =	sdelay $0x4  }
0x50: {  	v0 =	vmul.f32 $8.000000000e+00, v0;
	_ =	sdelay $0x1  }
0x51: {  	[tilespmem:s25+$0xFFFFFF90] =	vst v0  }
0x52: {  	v0 =	vld [tilespmem:s28+$0xFFFFFFA0];
	_ =	sdelay $0x4  }
0x53: {  	v0 =	vmul.f32 $8.000000000e+00, v0;
	_ =	sdelay $0x1  }
0x54: {  	[tilespmem:s25+$0xFFFFFFA0] =	vst v0  }
0x55: {  	v0 =	vld [tilespmem:s28+$0xFFFFFFB0];
	_ =	sdelay $0x4  }
0x56: {  	v0 =	vmul.f32 $8.000000000e+00, v0;
	_ =	sdelay $0x1  }
0x57: {  	[tilespmem:s25+$0xFFFFFFB0] =	vst v0  }
0x58: {  	v0 =	vld [tilespmem:s28+$0xFFFFFFC0];
	_ =	sdelay $0x4  }
0x59: {  	v0 =	vmul.f32 $8.000000000e+00, v0;
	_ =	sdelay $0x1  }
0x5a: {  	[tilespmem:s25+$0xFFFFFFC0] =	vst v0  }
0x5b: {  	v0 =	vld [tilespmem:s28+$0xFFFFFFD0];
	_ =	sdelay $0x4  }
0x5c: {  	v0 =	vmul.f32 $8.000000000e+00, v0;
	_ =	sdelay $0x1  }
0x5d: {  	[tilespmem:s25+$0xFFFFFFD0] =	vst v0  }
0x5e: {  	v0 =	vld [tilespmem:s28+$0xFFFFFFE0];
	_ =	sdelay $0x4  }
0x5f: {  	v0 =	vmul.f32 $8.000000000e+00, v0;
	_ =	sdelay $0x1  }
0x60: {  	[tilespmem:s25+$0xFFFFFFE0] =	vst v0  }
0x61: {  	v0 =	vld [tilespmem:s28+$0xFFFFFFF0];
	_ =	sdelay $0x4  }
0x62: {  	v0 =	vmul.f32 $8.000000000e+00, v0;
	_ =	sdelay $0x1  }
0x63: {  	[tilespmem:s25+$0xFFFFFFF0] =	vst v0  }
0x64: {  	v0 =	vld [tilespmem:s28+$0x0];
	_ =	sdelay $0x4  }
0x65: {  	v0 =	vmul.f32 $8.000000000e+00, v0;
	_ =	sdelay $0x1  }
0x66: {  	[tilespmem:s25+$0x0] =	vst v0  }
0x67: {  	v0 =	vld [tilespmem:s28+$0x10];
	_ =	sdelay $0x4  }
0x68: {  	v0 =	vmul.f32 $8.000000000e+00, v0;
	_ =	sdelay $0x1  }
0x69: {  	[tilespmem:s25+$0x10] =	vst v0  }
0x6a: {  	v0 =	vld [tilespmem:s28+$0x20];
	_ =	sdelay $0x4  }
0x6b: {  	v0 =	vmul.f32 $8.000000000e+00, v0;
	_ =	sdelay $0x1  }
0x6c: {  	[tilespmem:s25+$0x20] =	vst v0  }
0x6d: {  	v0 =	vld [tilespmem:s28+$0x30];
	_ =	sdelay $0x4  }
0x6e: {  	v0 =	vmul.f32 $8.000000000e+00, v0;
	_ =	sdelay $0x1  }
0x6f: {  	[tilespmem:s25+$0x30] =	vst v0  }
0x70: {  	v0 =	vld [tilespmem:s28+$0x40];
	_ =	sdelay $0x4  }
0x71: {  	v0 =	vmul.f32 $8.000000000e+00, v0;
	_ =	sdelay $0x1  }
0x72: {  	[tilespmem:s25+$0x40] =	vst v0  }
0x73: {  	v0 =	vld [tilespmem:s28+$0x50];
	_ =	sdelay $0x4  }
0x74: {  	v0 =	vmul.f32 $8.000000000e+00, v0;
	_ =	sdelay $0x1  }
0x75: {  	[tilespmem:s25+$0x50] =	vst v0  }
0x76: {  	v0 =	vld [tilespmem:s28+$0x60];
	_ =	sdelay $0x4  }
0x77: {  	v0 =	vmul.f32 $8.000000000e+00, v0;
	_ =	sdelay $0x1  }
0x78: {  	[tilespmem:s25+$0x60] =	vst v0  }
0x79: {  	v0 =	vld [tilespmem:s28+$0x70];
	_ =	sdelay $0x2  }
.Ltmp0:
0x7a: {  	(pc) =	sbr.rel @p0 .LBB2_2-.Ltmp0, $3  }
0x7b: {  	_ = 	snop  }
0x7c: {  	v0 =	vmul.f32 $8.000000000e+00, v0;
	_ =	sdelay $0x1  }
0x7d: {  	s28 =	sadd.s32 $0x100, s28;
	[tilespmem:s25+$0x70] =	vst v0  }
0x7e: {  	[tilespmem:s14], [sflag:$0x1] =	stream.indirect.gather [hbm4b:s5+s13], $0x40, s17, s13, $0xb8;
	[tilespmem:$0xE400] =	vst v63  }
0x7f: {  	_ = 	snop  }
0x80: {  	[hbm4b:s6+s3] =	stream.linear.scatter [tilespmem:s18], [sflag:$0x3], $0x2000, $0x38;
	[tilespmem:$0xE400] =	vst v63  }
0x81: {  	_ =	swait.ge [sflag:s19], $0x2000  }
0x82: {  	[sflag:s19] =	ssyncset.done $0x0  }
0x83: {  	s26 =	simm.s32 $0x8480;
	[sflag:s19] =	ssyncadd.s32 $0xFFFFE000  }
0x84: {  	v0 =	vld [tilespmem:s26+$0xFFFFFF80];
	_ =	sdelay $0x4  }
0x85: {  	v0 =	vmul.f32 $8.000000000e+00, v0  }
0x86: {  	s25 =	simm.s32 $0xC480  }
0x87: {  	[tilespmem:s25+$0xFFFFFF80] =	vst v0  }
0x88: {  	v0 =	vld [tilespmem:s26+$0xFFFFFF90];
	_ =	sdelay $0x4  }
0x89: {  	v0 =	vmul.f32 $8.000000000e+00, v0;
	_ =	sdelay $0x1  }
0x8a: {  	[tilespmem:s25+$0xFFFFFF90] =	vst v0  }
0x8b: {  	v0 =	vld [tilespmem:s26+$0xFFFFFFA0];
	_ =	sdelay $0x4  }
0x8c: {  	v0 =	vmul.f32 $8.000000000e+00, v0;
	_ =	sdelay $0x1  }
0x8d: {  	[tilespmem:s25+$0xFFFFFFA0] =	vst v0  }
0x8e: {  	v0 =	vld [tilespmem:s26+$0xFFFFFFB0];
	_ =	sdelay $0x4  }
0x8f: {  	v0 =	vmul.f32 $8.000000000e+00, v0;
	_ =	sdelay $0x1  }
0x90: {  	[tilespmem:s25+$0xFFFFFFB0] =	vst v0  }
0x91: {  	v0 =	vld [tilespmem:s26+$0xFFFFFFC0];
	_ =	sdelay $0x4  }
0x92: {  	v0 =	vmul.f32 $8.000000000e+00, v0;
	_ =	sdelay $0x1  }
0x93: {  	[tilespmem:s25+$0xFFFFFFC0] =	vst v0  }
0x94: {  	v0 =	vld [tilespmem:s26+$0xFFFFFFD0];
	_ =	sdelay $0x4  }
0x95: {  	v0 =	vmul.f32 $8.000000000e+00, v0;
	_ =	sdelay $0x1  }
0x96: {  	[tilespmem:s25+$0xFFFFFFD0] =	vst v0  }
0x97: {  	v0 =	vld [tilespmem:s26+$0xFFFFFFE0];
	_ =	sdelay $0x4  }
0x98: {  	v0 =	vmul.f32 $8.000000000e+00, v0;
	_ =	sdelay $0x1  }
0x99: {  	[tilespmem:s25+$0xFFFFFFE0] =	vst v0  }
0x9a: {  	v0 =	vld [tilespmem:s26+$0xFFFFFFF0];
	_ =	sdelay $0x4  }
0x9b: {  	v0 =	vmul.f32 $8.000000000e+00, v0;
	_ =	sdelay $0x1  }
0x9c: {  	[tilespmem:s25+$0xFFFFFFF0] =	vst v0  }
0x9d: {  	v0 =	vld [tilespmem:s26+$0x0];
	_ =	sdelay $0x4  }
0x9e: {  	v0 =	vmul.f32 $8.000000000e+00, v0;
	_ =	sdelay $0x1  }
0x9f: {  	[tilespmem:s25+$0x0] =	vst v0  }
0xa0: {  	v0 =	vld [tilespmem:s26+$0x10];
	_ =	sdelay $0x4  }
0xa1: {  	v0 =	vmul.f32 $8.000000000e+00, v0;
	_ =	sdelay $0x1  }
0xa2: {  	[tilespmem:s25+$0x10] =	vst v0  }
0xa3: {  	v0 =	vld [tilespmem:s26+$0x20];
	_ =	sdelay $0x4  }
0xa4: {  	v0 =	vmul.f32 $8.000000000e+00, v0;
	_ =	sdelay $0x1  }
0xa5: {  	[tilespmem:s25+$0x20] =	vst v0  }
0xa6: {  	v0 =	vld [tilespmem:s26+$0x30];
	_ =	sdelay $0x4  }
0xa7: {  	v0 =	vmul.f32 $8.000000000e+00, v0;
	_ =	sdelay $0x1  }
0xa8: {  	[tilespmem:s25+$0x30] =	vst v0  }
0xa9: {  	v0 =	vld [tilespmem:s26+$0x40];
	_ =	sdelay $0x4  }
0xaa: {  	v0 =	vmul.f32 $8.000000000e+00, v0;
	_ =	sdelay $0x1  }
0xab: {  	[tilespmem:s25+$0x40] =	vst v0  }
0xac: {  	v0 =	vld [tilespmem:s26+$0x50];
	_ =	sdelay $0x4  }
0xad: {  	v0 =	vmul.f32 $8.000000000e+00, v0;
	_ =	sdelay $0x1  }
0xae: {  	[tilespmem:s25+$0x50] =	vst v0  }
0xaf: {  	v0 =	vld [tilespmem:s26+$0x60];
	_ =	sdelay $0x4  }
0xb0: {  	v0 =	vmul.f32 $8.000000000e+00, v0;
	_ =	sdelay $0x1  }
0xb1: {  	[tilespmem:s25+$0x60] =	vst v0  }
0xb2: {  	v0 =	vld [tilespmem:s26+$0x70];
	_ =	sdelay $0x4  }
0xb3: {  	v0 =	vmul.f32 $8.000000000e+00, v0;
	_ =	sdelay $0x1  }
0xb4: {  	s28 =	simm.s32 $0x8580;
	s26 =	simm.s32 $0x0;
	[tilespmem:s25+$0x70] =	vst v0  }
.LBB2_4:
0xb5: {  	v0 =	vld [tilespmem:s28+$0xFFFFFF80];
	s26 =	sadd.s32 $0x4, s26  }
0xb6: {  	p0 =	slt.u32 s26, $0x7C;
	_ =	sdelay $0x3  }
0xb7: {  	v0 =	vmul.f32 $8.000000000e+00, v0  }
0xb8: {  	s25 =	sadd.s32 $0x100, s25  }
0xb9: {  	[tilespmem:s25+$0xFFFFFF80] =	vst v0  }
0xba: {  	v0 =	vld [tilespmem:s28+$0xFFFFFF90];
	_ =	sdelay $0x4  }
0xbb: {  	v0 =	vmul.f32 $8.000000000e+00, v0;
	_ =	sdelay $0x1  }
0xbc: {  	[tilespmem:s25+$0xFFFFFF90] =	vst v0  }
0xbd: {  	v0 =	vld [tilespmem:s28+$0xFFFFFFA0];
	_ =	sdelay $0x4  }
0xbe: {  	v0 =	vmul.f32 $8.000000000e+00, v0;
	_ =	sdelay $0x1  }
0xbf: {  	[tilespmem:s25+$0xFFFFFFA0] =	vst v0  }
0xc0: {  	v0 =	vld [tilespmem:s28+$0xFFFFFFB0];
	_ =	sdelay $0x4  }
0xc1: {  	v0 =	vmul.f32 $8.000000000e+00, v0;
	_ =	sdelay $0x1  }
0xc2: {  	[tilespmem:s25+$0xFFFFFFB0] =	vst v0  }
0xc3: {  	v0 =	vld [tilespmem:s28+$0xFFFFFFC0];
	_ =	sdelay $0x4  }
0xc4: {  	v0 =	vmul.f32 $8.000000000e+00, v0;
	_ =	sdelay $0x1  }
0xc5: {  	[tilespmem:s25+$0xFFFFFFC0] =	vst v0  }
0xc6: {  	v0 =	vld [tilespmem:s28+$0xFFFFFFD0];
	_ =	sdelay $0x4  }
0xc7: {  	v0 =	vmul.f32 $8.000000000e+00, v0;
	_ =	sdelay $0x1  }
0xc8: {  	[tilespmem:s25+$0xFFFFFFD0] =	vst v0  }
0xc9: {  	v0 =	vld [tilespmem:s28+$0xFFFFFFE0];
	_ =	sdelay $0x4  }
0xca: {  	v0 =	vmul.f32 $8.000000000e+00, v0;
	_ =	sdelay $0x1  }
0xcb: {  	[tilespmem:s25+$0xFFFFFFE0] =	vst v0  }
0xcc: {  	v0 =	vld [tilespmem:s28+$0xFFFFFFF0];
	_ =	sdelay $0x4  }
0xcd: {  	v0 =	vmul.f32 $8.000000000e+00, v0;
	_ =	sdelay $0x1  }
0xce: {  	[tilespmem:s25+$0xFFFFFFF0] =	vst v0  }
0xcf: {  	v0 =	vld [tilespmem:s28+$0x0];
	_ =	sdelay $0x4  }
0xd0: {  	v0 =	vmul.f32 $8.000000000e+00, v0;
	_ =	sdelay $0x1  }
0xd1: {  	[tilespmem:s25+$0x0] =	vst v0  }
0xd2: {  	v0 =	vld [tilespmem:s28+$0x10];
	_ =	sdelay $0x4  }
0xd3: {  	v0 =	vmul.f32 $8.000000000e+00, v0;
	_ =	sdelay $0x1  }
0xd4: {  	[tilespmem:s25+$0x10] =	vst v0  }
0xd5: {  	v0 =	vld [tilespmem:s28+$0x20];
	_ =	sdelay $0x4  }
0xd6: {  	v0 =	vmul.f32 $8.000000000e+00, v0;
	_ =	sdelay $0x1  }
0xd7: {  	[tilespmem:s25+$0x20] =	vst v0  }
0xd8: {  	v0 =	vld [tilespmem:s28+$0x30];
	_ =	sdelay $0x4  }
0xd9: {  	v0 =	vmul.f32 $8.000000000e+00, v0;
	_ =	sdelay $0x1  }
0xda: {  	[tilespmem:s25+$0x30] =	vst v0  }
0xdb: {  	v0 =	vld [tilespmem:s28+$0x40];
	_ =	sdelay $0x4  }
0xdc: {  	v0 =	vmul.f32 $8.000000000e+00, v0;
	_ =	sdelay $0x1  }
0xdd: {  	[tilespmem:s25+$0x40] =	vst v0  }
0xde: {  	v0 =	vld [tilespmem:s28+$0x50];
	_ =	sdelay $0x4  }
0xdf: {  	v0 =	vmul.f32 $8.000000000e+00, v0;
	_ =	sdelay $0x1  }
0xe0: {  	[tilespmem:s25+$0x50] =	vst v0  }
0xe1: {  	v0 =	vld [tilespmem:s28+$0x60];
	_ =	sdelay $0x4  }
0xe2: {  	v0 =	vmul.f32 $8.000000000e+00, v0;
	_ =	sdelay $0x1  }
0xe3: {  	[tilespmem:s25+$0x60] =	vst v0  }
0xe4: {  	v0 =	vld [tilespmem:s28+$0x70];
	_ =	sdelay $0x2  }
.Ltmp1:
0xe5: {  	(pc) =	sbr.rel @p0 .LBB2_4-.Ltmp1, $3  }
0xe6: {  	_ = 	snop  }
0xe7: {  	v0 =	vmul.f32 $8.000000000e+00, v0;
	_ =	sdelay $0x1  }
0xe8: {  	s28 =	sadd.s32 $0x100, s28;
	[tilespmem:s25+$0x70] =	vst v0  }
0xe9: {  	[tilespmem:s15], [sflag:$0x2] =	stream.indirect.gather [hbm4b:s5+s13], $0x40, s20, s13, $0xb8;
	[tilespmem:$0xE400] =	vst v63  }
0xea: {  	s25 =	simm.s32 $0x1  }
0xeb: {  	[hbm4b:s8+s3] =	stream.linear.scatter [tilespmem:s21], [sflag:$0x4], $0x2000, $0x38;
	[tilespmem:$0xE400] =	vst v63  }
.LBB2_6:
0xec: {  	_ =	swait.ge [sflag:s16], $0x2000  }
0xed: {  	[sflag:s16] =	ssyncset.done $0x0  }
0xee: {  	[sflag:s16] =	ssyncadd.s32 $0xFFFFE000  }
0xef: {  	_ =	swait.ge [sflag:s22], $0x2000  }
0xf0: {  	[sflag:s22] =	ssyncset.done $0x0  }
0xf1: {  	s28 =	simm.s32 $0x6480;
	[sflag:s22] =	ssyncadd.s32 $0xFFFFE000  }
0xf2: {  	v0 =	vld [tilespmem:s28+$0xFFFFFF80];
	_ =	sdelay $0x4  }
0xf3: {  	v0 =	vmul.f32 $8.000000000e+00, v0  }
0xf4: {  	s26 =	simm.s32 $0xA480  }
0xf5: {  	[tilespmem:s26+$0xFFFFFF80] =	vst v0  }
0xf6: {  	v0 =	vld [tilespmem:s28+$0xFFFFFF90];
	_ =	sdelay $0x4  }
0xf7: {  	v0 =	vmul.f32 $8.000000000e+00, v0;
	_ =	sdelay $0x1  }
0xf8: {  	[tilespmem:s26+$0xFFFFFF90] =	vst v0  }
0xf9: {  	v0 =	vld [tilespmem:s28+$0xFFFFFFA0];
	_ =	sdelay $0x4  }
0xfa: {  	v0 =	vmul.f32 $8.000000000e+00, v0;
	_ =	sdelay $0x1  }
0xfb: {  	[tilespmem:s26+$0xFFFFFFA0] =	vst v0  }
0xfc: {  	v0 =	vld [tilespmem:s28+$0xFFFFFFB0];
	_ =	sdelay $0x4  }
0xfd: {  	v0 =	vmul.f32 $8.000000000e+00, v0;
	_ =	sdelay $0x1  }
0xfe: {  	[tilespmem:s26+$0xFFFFFFB0] =	vst v0  }
0xff: {  	v0 =	vld [tilespmem:s28+$0xFFFFFFC0];
	_ =	sdelay $0x4  }
0x100: {  	v0 =	vmul.f32 $8.000000000e+00, v0;
	_ =	sdelay $0x1  }
0x101: {  	[tilespmem:s26+$0xFFFFFFC0] =	vst v0  }
0x102: {  	v0 =	vld [tilespmem:s28+$0xFFFFFFD0];
	_ =	sdelay $0x4  }
0x103: {  	v0 =	vmul.f32 $8.000000000e+00, v0;
	_ =	sdelay $0x1  }
0x104: {  	[tilespmem:s26+$0xFFFFFFD0] =	vst v0  }
0x105: {  	v0 =	vld [tilespmem:s28+$0xFFFFFFE0];
	_ =	sdelay $0x4  }
0x106: {  	v0 =	vmul.f32 $8.000000000e+00, v0;
	_ =	sdelay $0x1  }
0x107: {  	[tilespmem:s26+$0xFFFFFFE0] =	vst v0  }
0x108: {  	v0 =	vld [tilespmem:s28+$0xFFFFFFF0];
	_ =	sdelay $0x4  }
0x109: {  	v0 =	vmul.f32 $8.000000000e+00, v0;
	_ =	sdelay $0x1  }
0x10a: {  	[tilespmem:s26+$0xFFFFFFF0] =	vst v0  }
0x10b: {  	v0 =	vld [tilespmem:s28+$0x0];
	_ =	sdelay $0x4  }
0x10c: {  	v0 =	vmul.f32 $8.000000000e+00, v0;
	_ =	sdelay $0x1  }
0x10d: {  	[tilespmem:s26+$0x0] =	vst v0  }
0x10e: {  	v0 =	vld [tilespmem:s28+$0x10];
	_ =	sdelay $0x4  }
0x10f: {  	v0 =	vmul.f32 $8.000000000e+00, v0;
	_ =	sdelay $0x1  }
0x110: {  	[tilespmem:s26+$0x10] =	vst v0  }
0x111: {  	v0 =	vld [tilespmem:s28+$0x20];
	_ =	sdelay $0x4  }
0x112: {  	v0 =	vmul.f32 $8.000000000e+00, v0;
	_ =	sdelay $0x1  }
0x113: {  	[tilespmem:s26+$0x20] =	vst v0  }
0x114: {  	v0 =	vld [tilespmem:s28+$0x30];
	_ =	sdelay $0x4  }
0x115: {  	v0 =	vmul.f32 $8.000000000e+00, v0;
	_ =	sdelay $0x1  }
0x116: {  	[tilespmem:s26+$0x30] =	vst v0  }
0x117: {  	v0 =	vld [tilespmem:s28+$0x40];
	_ =	sdelay $0x4  }
0x118: {  	v0 =	vmul.f32 $8.000000000e+00, v0;
	_ =	sdelay $0x1  }
0x119: {  	[tilespmem:s26+$0x40] =	vst v0  }
0x11a: {  	v0 =	vld [tilespmem:s28+$0x50];
	_ =	sdelay $0x4  }
0x11b: {  	v0 =	vmul.f32 $8.000000000e+00, v0;
	_ =	sdelay $0x1  }
0x11c: {  	[tilespmem:s26+$0x50] =	vst v0  }
0x11d: {  	v0 =	vld [tilespmem:s28+$0x60];
	_ =	sdelay $0x4  }
0x11e: {  	v0 =	vmul.f32 $8.000000000e+00, v0;
	_ =	sdelay $0x1  }
0x11f: {  	[tilespmem:s26+$0x60] =	vst v0  }
0x120: {  	v0 =	vld [tilespmem:s28+$0x70];
	_ =	sdelay $0x4  }
0x121: {  	v0 =	vmul.f32 $8.000000000e+00, v0;
	_ =	sdelay $0x1  }
0x122: {  	s29 =	simm.s32 $0x6580;
	s28 =	simm.s32 $0x0;
	[tilespmem:s26+$0x70] =	vst v0  }
.LBB2_7:
0x123: {  	v0 =	vld [tilespmem:s29+$0xFFFFFF80];
	s28 =	sadd.s32 $0x4, s28  }
0x124: {  	p0 =	slt.u32 s28, $0x7C;
	_ =	sdelay $0x3  }
0x125: {  	v0 =	vmul.f32 $8.000000000e+00, v0  }
0x126: {  	s26 =	sadd.s32 $0x100, s26  }
0x127: {  	[tilespmem:s26+$0xFFFFFF80] =	vst v0  }
0x128: {  	v0 =	vld [tilespmem:s29+$0xFFFFFF90];
	_ =	sdelay $0x4  }
0x129: {  	v0 =	vmul.f32 $8.000000000e+00, v0;
	_ =	sdelay $0x1  }
0x12a: {  	[tilespmem:s26+$0xFFFFFF90] =	vst v0  }
0x12b: {  	v0 =	vld [tilespmem:s29+$0xFFFFFFA0];
	_ =	sdelay $0x4  }
0x12c: {  	v0 =	vmul.f32 $8.000000000e+00, v0;
	_ =	sdelay $0x1  }
0x12d: {  	[tilespmem:s26+$0xFFFFFFA0] =	vst v0  }
0x12e: {  	v0 =	vld [tilespmem:s29+$0xFFFFFFB0];
	_ =	sdelay $0x4  }
0x12f: {  	v0 =	vmul.f32 $8.000000000e+00, v0;
	_ =	sdelay $0x1  }
0x130: {  	[tilespmem:s26+$0xFFFFFFB0] =	vst v0  }
0x131: {  	v0 =	vld [tilespmem:s29+$0xFFFFFFC0];
	_ =	sdelay $0x4  }
0x132: {  	v0 =	vmul.f32 $8.000000000e+00, v0;
	_ =	sdelay $0x1  }
0x133: {  	[tilespmem:s26+$0xFFFFFFC0] =	vst v0  }
0x134: {  	v0 =	vld [tilespmem:s29+$0xFFFFFFD0];
	_ =	sdelay $0x4  }
0x135: {  	v0 =	vmul.f32 $8.000000000e+00, v0;
	_ =	sdelay $0x1  }
0x136: {  	[tilespmem:s26+$0xFFFFFFD0] =	vst v0  }
0x137: {  	v0 =	vld [tilespmem:s29+$0xFFFFFFE0];
	_ =	sdelay $0x4  }
0x138: {  	v0 =	vmul.f32 $8.000000000e+00, v0;
	_ =	sdelay $0x1  }
0x139: {  	[tilespmem:s26+$0xFFFFFFE0] =	vst v0  }
0x13a: {  	v0 =	vld [tilespmem:s29+$0xFFFFFFF0];
	_ =	sdelay $0x4  }
0x13b: {  	v0 =	vmul.f32 $8.000000000e+00, v0;
	_ =	sdelay $0x1  }
0x13c: {  	[tilespmem:s26+$0xFFFFFFF0] =	vst v0  }
0x13d: {  	v0 =	vld [tilespmem:s29+$0x0];
	_ =	sdelay $0x4  }
0x13e: {  	v0 =	vmul.f32 $8.000000000e+00, v0;
	_ =	sdelay $0x1  }
0x13f: {  	[tilespmem:s26+$0x0] =	vst v0  }
0x140: {  	v0 =	vld [tilespmem:s29+$0x10];
	_ =	sdelay $0x4  }
0x141: {  	v0 =	vmul.f32 $8.000000000e+00, v0;
	_ =	sdelay $0x1  }
0x142: {  	[tilespmem:s26+$0x10] =	vst v0  }
0x143: {  	v0 =	vld [tilespmem:s29+$0x20];
	_ =	sdelay $0x4  }
0x144: {  	v0 =	vmul.f32 $8.000000000e+00, v0;
	_ =	sdelay $0x1  }
0x145: {  	[tilespmem:s26+$0x20] =	vst v0  }
0x146: {  	v0 =	vld [tilespmem:s29+$0x30];
	_ =	sdelay $0x4  }
0x147: {  	v0 =	vmul.f32 $8.000000000e+00, v0;
	_ =	sdelay $0x1  }
0x148: {  	[tilespmem:s26+$0x30] =	vst v0  }
0x149: {  	v0 =	vld [tilespmem:s29+$0x40];
	_ =	sdelay $0x4  }
0x14a: {  	v0 =	vmul.f32 $8.000000000e+00, v0;
	_ =	sdelay $0x1  }
0x14b: {  	[tilespmem:s26+$0x40] =	vst v0  }
0x14c: {  	v0 =	vld [tilespmem:s29+$0x50];
	_ =	sdelay $0x4  }
0x14d: {  	v0 =	vmul.f32 $8.000000000e+00, v0;
	_ =	sdelay $0x1  }
0x14e: {  	[tilespmem:s26+$0x50] =	vst v0  }
0x14f: {  	v0 =	vld [tilespmem:s29+$0x60];
	_ =	sdelay $0x4  }
0x150: {  	v0 =	vmul.f32 $8.000000000e+00, v0;
	_ =	sdelay $0x1  }
0x151: {  	[tilespmem:s26+$0x60] =	vst v0  }
0x152: {  	v0 =	vld [tilespmem:s29+$0x70];
	_ =	sdelay $0x2  }
.Ltmp2:
0x153: {  	(pc) =	sbr.rel @p0 .LBB2_7-.Ltmp2, $3  }
0x154: {  	_ = 	snop  }
0x155: {  	v0 =	vmul.f32 $8.000000000e+00, v0;
	_ =	sdelay $0x1  }
0x156: {  	s29 =	sadd.s32 $0x100, s29;
	[tilespmem:s26+$0x70] =	vst v0  }
0x157: {  	s26 =	sshll.u32 s25, $0x8  }
0x158: {  	s26 =	sand.u32 $0x3FFFFF00, s26  }
0x159: {  	s28 =	sadd.s32 $0x100, s26  }
0x15a: {  	[tilespmem:s14], [sflag:$0x1] =	stream.indirect.gather [hbm4b:s5+s13], $0x40, s28, s13, $0xb8;
	[tilespmem:$0xE400] =	vst v63  }
0x15b: {  	s28 =	sshll.u32 s25, $0xE  }
0x15c: {  	s28 =	sadd.s32 s4, s28  }
0x15d: {  	s28 =	sshrl.u32 s28, $0x3  }
0x15e: {  	s28 =	sadd.s32 s2, s28  }
0x15f: {  	[hbm4b:s28+s3] =	stream.linear.scatter [tilespmem:s18], [sflag:$0x3], $0x2000, $0x38;
	[tilespmem:$0xE400] =	vst v63  }
0x160: {  	_ =	swait.ge [sflag:s19], $0x2000  }
0x161: {  	[sflag:s19] =	ssyncset.done $0x0  }
0x162: {  	[sflag:s19] =	ssyncadd.s32 $0xFFFFE000  }
0x163: {  	_ =	swait.ge [sflag:s23], $0x2000  }
0x164: {  	[sflag:s23] =	ssyncset.done $0x0  }
0x165: {  	s29 =	simm.s32 $0x8480;
	[sflag:s23] =	ssyncadd.s32 $0xFFFFE000  }
0x166: {  	v0 =	vld [tilespmem:s29+$0xFFFFFF80];
	_ =	sdelay $0x4  }
0x167: {  	v0 =	vmul.f32 $8.000000000e+00, v0  }
0x168: {  	s28 =	simm.s32 $0xC480  }
0x169: {  	[tilespmem:s28+$0xFFFFFF80] =	vst v0  }
0x16a: {  	v0 =	vld [tilespmem:s29+$0xFFFFFF90];
	_ =	sdelay $0x4  }
0x16b: {  	v0 =	vmul.f32 $8.000000000e+00, v0;
	_ =	sdelay $0x1  }
0x16c: {  	[tilespmem:s28+$0xFFFFFF90] =	vst v0  }
0x16d: {  	v0 =	vld [tilespmem:s29+$0xFFFFFFA0];
	_ =	sdelay $0x4  }
0x16e: {  	v0 =	vmul.f32 $8.000000000e+00, v0;
	_ =	sdelay $0x1  }
0x16f: {  	[tilespmem:s28+$0xFFFFFFA0] =	vst v0  }
0x170: {  	v0 =	vld [tilespmem:s29+$0xFFFFFFB0];
	_ =	sdelay $0x4  }
0x171: {  	v0 =	vmul.f32 $8.000000000e+00, v0;
	_ =	sdelay $0x1  }
0x172: {  	[tilespmem:s28+$0xFFFFFFB0] =	vst v0  }
0x173: {  	v0 =	vld [tilespmem:s29+$0xFFFFFFC0];
	_ =	sdelay $0x4  }
0x174: {  	v0 =	vmul.f32 $8.000000000e+00, v0;
	_ =	sdelay $0x1  }
0x175: {  	[tilespmem:s28+$0xFFFFFFC0] =	vst v0  }
0x176: {  	v0 =	vld [tilespmem:s29+$0xFFFFFFD0];
	_ =	sdelay $0x4  }
0x177: {  	v0 =	vmul.f32 $8.000000000e+00, v0;
	_ =	sdelay $0x1  }
0x178: {  	[tilespmem:s28+$0xFFFFFFD0] =	vst v0  }
0x179: {  	v0 =	vld [tilespmem:s29+$0xFFFFFFE0];
	_ =	sdelay $0x4  }
0x17a: {  	v0 =	vmul.f32 $8.000000000e+00, v0;
	_ =	sdelay $0x1  }
0x17b: {  	[tilespmem:s28+$0xFFFFFFE0] =	vst v0  }
0x17c: {  	v0 =	vld [tilespmem:s29+$0xFFFFFFF0];
	_ =	sdelay $0x4  }
0x17d: {  	v0 =	vmul.f32 $8.000000000e+00, v0;
	_ =	sdelay $0x1  }
0x17e: {  	[tilespmem:s28+$0xFFFFFFF0] =	vst v0  }
0x17f: {  	v0 =	vld [tilespmem:s29+$0x0];
	_ =	sdelay $0x4  }
0x180: {  	v0 =	vmul.f32 $8.000000000e+00, v0;
	_ =	sdelay $0x1  }
0x181: {  	[tilespmem:s28+$0x0] =	vst v0  }
0x182: {  	v0 =	vld [tilespmem:s29+$0x10];
	_ =	sdelay $0x4  }
0x183: {  	v0 =	vmul.f32 $8.000000000e+00, v0;
	_ =	sdelay $0x1  }
0x184: {  	[tilespmem:s28+$0x10] =	vst v0  }
0x185: {  	v0 =	vld [tilespmem:s29+$0x20];
	_ =	sdelay $0x4  }
0x186: {  	v0 =	vmul.f32 $8.000000000e+00, v0;
	_ =	sdelay $0x1  }
0x187: {  	[tilespmem:s28+$0x20] =	vst v0  }
0x188: {  	v0 =	vld [tilespmem:s29+$0x30];
	_ =	sdelay $0x4  }
0x189: {  	v0 =	vmul.f32 $8.000000000e+00, v0;
	_ =	sdelay $0x1  }
0x18a: {  	[tilespmem:s28+$0x30] =	vst v0  }
0x18b: {  	v0 =	vld [tilespmem:s29+$0x40];
	_ =	sdelay $0x4  }
0x18c: {  	v0 =	vmul.f32 $8.000000000e+00, v0;
	_ =	sdelay $0x1  }
0x18d: {  	[tilespmem:s28+$0x40] =	vst v0  }
0x18e: {  	v0 =	vld [tilespmem:s29+$0x50];
	_ =	sdelay $0x4  }
0x18f: {  	v0 =	vmul.f32 $8.000000000e+00, v0;
	_ =	sdelay $0x1  }
0x190: {  	[tilespmem:s28+$0x50] =	vst v0  }
0x191: {  	v0 =	vld [tilespmem:s29+$0x60];
	_ =	sdelay $0x4  }
0x192: {  	v0 =	vmul.f32 $8.000000000e+00, v0;
	_ =	sdelay $0x1  }
0x193: {  	[tilespmem:s28+$0x60] =	vst v0  }
0x194: {  	v0 =	vld [tilespmem:s29+$0x70];
	_ =	sdelay $0x4  }
0x195: {  	v0 =	vmul.f32 $8.000000000e+00, v0;
	_ =	sdelay $0x1  }
0x196: {  	s30 =	simm.s32 $0x8580;
	s29 =	simm.s32 $0x0;
	[tilespmem:s28+$0x70] =	vst v0  }
.LBB2_9:
0x197: {  	v0 =	vld [tilespmem:s30+$0xFFFFFF80];
	s29 =	sadd.s32 $0x4, s29  }
0x198: {  	p0 =	slt.u32 s29, $0x7C;
	_ =	sdelay $0x3  }
0x199: {  	v0 =	vmul.f32 $8.000000000e+00, v0  }
0x19a: {  	s28 =	sadd.s32 $0x100, s28  }
0x19b: {  	[tilespmem:s28+$0xFFFFFF80] =	vst v0  }
0x19c: {  	v0 =	vld [tilespmem:s30+$0xFFFFFF90];
	_ =	sdelay $0x4  }
0x19d: {  	v0 =	vmul.f32 $8.000000000e+00, v0;
	_ =	sdelay $0x1  }
0x19e: {  	[tilespmem:s28+$0xFFFFFF90] =	vst v0  }
0x19f: {  	v0 =	vld [tilespmem:s30+$0xFFFFFFA0];
	_ =	sdelay $0x4  }
0x1a0: {  	v0 =	vmul.f32 $8.000000000e+00, v0;
	_ =	sdelay $0x1  }
0x1a1: {  	[tilespmem:s28+$0xFFFFFFA0] =	vst v0  }
0x1a2: {  	v0 =	vld [tilespmem:s30+$0xFFFFFFB0];
	_ =	sdelay $0x4  }
0x1a3: {  	v0 =	vmul.f32 $8.000000000e+00, v0;
	_ =	sdelay $0x1  }
0x1a4: {  	[tilespmem:s28+$0xFFFFFFB0] =	vst v0  }
0x1a5: {  	v0 =	vld [tilespmem:s30+$0xFFFFFFC0];
	_ =	sdelay $0x4  }
0x1a6: {  	v0 =	vmul.f32 $8.000000000e+00, v0;
	_ =	sdelay $0x1  }
0x1a7: {  	[tilespmem:s28+$0xFFFFFFC0] =	vst v0  }
0x1a8: {  	v0 =	vld [tilespmem:s30+$0xFFFFFFD0];
	_ =	sdelay $0x4  }
0x1a9: {  	v0 =	vmul.f32 $8.000000000e+00, v0;
	_ =	sdelay $0x1  }
0x1aa: {  	[tilespmem:s28+$0xFFFFFFD0] =	vst v0  }
0x1ab: {  	v0 =	vld [tilespmem:s30+$0xFFFFFFE0];
	_ =	sdelay $0x4  }
0x1ac: {  	v0 =	vmul.f32 $8.000000000e+00, v0;
	_ =	sdelay $0x1  }
0x1ad: {  	[tilespmem:s28+$0xFFFFFFE0] =	vst v0  }
0x1ae: {  	v0 =	vld [tilespmem:s30+$0xFFFFFFF0];
	_ =	sdelay $0x4  }
0x1af: {  	v0 =	vmul.f32 $8.000000000e+00, v0;
	_ =	sdelay $0x1  }
0x1b0: {  	[tilespmem:s28+$0xFFFFFFF0] =	vst v0  }
0x1b1: {  	v0 =	vld [tilespmem:s30+$0x0];
	_ =	sdelay $0x4  }
0x1b2: {  	v0 =	vmul.f32 $8.000000000e+00, v0;
	_ =	sdelay $0x1  }
0x1b3: {  	[tilespmem:s28+$0x0] =	vst v0  }
0x1b4: {  	v0 =	vld [tilespmem:s30+$0x10];
	_ =	sdelay $0x4  }
0x1b5: {  	v0 =	vmul.f32 $8.000000000e+00, v0;
	_ =	sdelay $0x1  }
0x1b6: {  	[tilespmem:s28+$0x10] =	vst v0  }
0x1b7: {  	v0 =	vld [tilespmem:s30+$0x20];
	_ =	sdelay $0x4  }
0x1b8: {  	v0 =	vmul.f32 $8.000000000e+00, v0;
	_ =	sdelay $0x1  }
0x1b9: {  	[tilespmem:s28+$0x20] =	vst v0  }
0x1ba: {  	v0 =	vld [tilespmem:s30+$0x30];
	_ =	sdelay $0x4  }
0x1bb: {  	v0 =	vmul.f32 $8.000000000e+00, v0;
	_ =	sdelay $0x1  }
0x1bc: {  	[tilespmem:s28+$0x30] =	vst v0  }
0x1bd: {  	v0 =	vld [tilespmem:s30+$0x40];
	_ =	sdelay $0x4  }
0x1be: {  	v0 =	vmul.f32 $8.000000000e+00, v0;
	_ =	sdelay $0x1  }
0x1bf: {  	[tilespmem:s28+$0x40] =	vst v0  }
0x1c0: {  	v0 =	vld [tilespmem:s30+$0x50];
	_ =	sdelay $0x4  }
0x1c1: {  	v0 =	vmul.f32 $8.000000000e+00, v0;
	_ =	sdelay $0x1  }
0x1c2: {  	[tilespmem:s28+$0x50] =	vst v0  }
0x1c3: {  	v0 =	vld [tilespmem:s30+$0x60];
	_ =	sdelay $0x4  }
0x1c4: {  	v0 =	vmul.f32 $8.000000000e+00, v0;
	_ =	sdelay $0x1  }
0x1c5: {  	[tilespmem:s28+$0x60] =	vst v0  }
0x1c6: {  	v0 =	vld [tilespmem:s30+$0x70];
	_ =	sdelay $0x2  }
.Ltmp3:
0x1c7: {  	(pc) =	sbr.rel @p0 .LBB2_9-.Ltmp3, $3  }
0x1c8: {  	_ = 	snop  }
0x1c9: {  	v0 =	vmul.f32 $8.000000000e+00, v0;
	_ =	sdelay $0x1  }
0x1ca: {  	s30 =	sadd.s32 $0x100, s30;
	[tilespmem:s28+$0x70] =	vst v0  }
0x1cb: {  	s31 =	sshll.u32 s25, $0xB;
	s25 =	sadd.s32 $0x1, s25  }
0x1cc: {  	p0 =	sne.s32 s25, $0x63  }
.Ltmp4:
0x1cd: {  	_ = 	snop;
	(pc) =	sbr.rel @p0 .LBB2_6-.Ltmp4, $4  }
0x1ce: {  	s26 =	sadd.s32 $0x180, s26  }
0x1cf: {  	[tilespmem:s15], [sflag:$0x2] =	stream.indirect.gather [hbm4b:s5+s13], $0x40, s26, s13, $0xb8;
	[tilespmem:$0xE400] =	vst v63  }
0x1d0: {  	s26 =	sadd.s32 s8, s31  }
0x1d1: {  	[hbm4b:s26+s3] =	stream.linear.scatter [tilespmem:s21], [sflag:$0x4], $0x2000, $0x38;
	[tilespmem:$0xE400] =	vst v63  }
0x1d2: {  	_ =	swait.ge [sflag:s16], $0x2000  }
0x1d3: {  	[sflag:s16] =	ssyncset.done $0x0  }
0x1d4: {  	[sflag:s16] =	ssyncadd.s32 $0xFFFFE000  }
0x1d5: {  	_ =	swait.ge [sflag:s22], $0x2000  }
0x1d6: {  	[sflag:s22] =	ssyncset.done $0x0  }
0x1d7: {  	s26 =	simm.s32 $0x6480;
	[sflag:s22] =	ssyncadd.s32 $0xFFFFE000  }
0x1d8: {  	v0 =	vld [tilespmem:s26+$0xFFFFFF80];
	_ =	sdelay $0x4  }
0x1d9: {  	v0 =	vmul.f32 $8.000000000e+00, v0  }
0x1da: {  	s25 =	simm.s32 $0xA480  }
0x1db: {  	[tilespmem:s25+$0xFFFFFF80] =	vst v0  }
0x1dc: {  	v0 =	vld [tilespmem:s26+$0xFFFFFF90];
	_ =	sdelay $0x4  }
0x1dd: {  	v0 =	vmul.f32 $8.000000000e+00, v0;
	_ =	sdelay $0x1  }
0x1de: {  	[tilespmem:s25+$0xFFFFFF90] =	vst v0  }
0x1df: {  	v0 =	vld [tilespmem:s26+$0xFFFFFFA0];
	_ =	sdelay $0x4  }
0x1e0: {  	v0 =	vmul.f32 $8.000000000e+00, v0;
	_ =	sdelay $0x1  }
0x1e1: {  	[tilespmem:s25+$0xFFFFFFA0] =	vst v0  }
0x1e2: {  	v0 =	vld [tilespmem:s26+$0xFFFFFFB0];
	_ =	sdelay $0x4  }
0x1e3: {  	v0 =	vmul.f32 $8.000000000e+00, v0;
	_ =	sdelay $0x1  }
0x1e4: {  	[tilespmem:s25+$0xFFFFFFB0] =	vst v0  }
0x1e5: {  	v0 =	vld [tilespmem:s26+$0xFFFFFFC0];
	_ =	sdelay $0x4  }
0x1e6: {  	v0 =	vmul.f32 $8.000000000e+00, v0;
	_ =	sdelay $0x1  }
0x1e7: {  	[tilespmem:s25+$0xFFFFFFC0] =	vst v0  }
0x1e8: {  	v0 =	vld [tilespmem:s26+$0xFFFFFFD0];
	_ =	sdelay $0x4  }
0x1e9: {  	v0 =	vmul.f32 $8.000000000e+00, v0;
	_ =	sdelay $0x1  }
0x1ea: {  	[tilespmem:s25+$0xFFFFFFD0] =	vst v0  }
0x1eb: {  	v0 =	vld [tilespmem:s26+$0xFFFFFFE0];
	_ =	sdelay $0x4  }
0x1ec: {  	v0 =	vmul.f32 $8.000000000e+00, v0;
	_ =	sdelay $0x1  }
0x1ed: {  	[tilespmem:s25+$0xFFFFFFE0] =	vst v0  }
0x1ee: {  	v0 =	vld [tilespmem:s26+$0xFFFFFFF0];
	_ =	sdelay $0x4  }
0x1ef: {  	v0 =	vmul.f32 $8.000000000e+00, v0;
	_ =	sdelay $0x1  }
0x1f0: {  	[tilespmem:s25+$0xFFFFFFF0] =	vst v0  }
0x1f1: {  	v0 =	vld [tilespmem:s26+$0x0];
	_ =	sdelay $0x4  }
0x1f2: {  	v0 =	vmul.f32 $8.000000000e+00, v0;
	_ =	sdelay $0x1  }
0x1f3: {  	[tilespmem:s25+$0x0] =	vst v0  }
0x1f4: {  	v0 =	vld [tilespmem:s26+$0x10];
	_ =	sdelay $0x4  }
0x1f5: {  	v0 =	vmul.f32 $8.000000000e+00, v0;
	_ =	sdelay $0x1  }
0x1f6: {  	[tilespmem:s25+$0x10] =	vst v0  }
0x1f7: {  	v0 =	vld [tilespmem:s26+$0x20];
	_ =	sdelay $0x4  }
0x1f8: {  	v0 =	vmul.f32 $8.000000000e+00, v0;
	_ =	sdelay $0x1  }
0x1f9: {  	[tilespmem:s25+$0x20] =	vst v0  }
0x1fa: {  	v0 =	vld [tilespmem:s26+$0x30];
	_ =	sdelay $0x4  }
0x1fb: {  	v0 =	vmul.f32 $8.000000000e+00, v0;
	_ =	sdelay $0x1  }
0x1fc: {  	[tilespmem:s25+$0x30] =	vst v0  }
0x1fd: {  	v0 =	vld [tilespmem:s26+$0x40];
	_ =	sdelay $0x4  }
0x1fe: {  	v0 =	vmul.f32 $8.000000000e+00, v0;
	_ =	sdelay $0x1  }
0x1ff: {  	[tilespmem:s25+$0x40] =	vst v0  }
0x200: {  	v0 =	vld [tilespmem:s26+$0x50];
	_ =	sdelay $0x4  }
0x201: {  	v0 =	vmul.f32 $8.000000000e+00, v0;
	_ =	sdelay $0x1  }
0x202: {  	[tilespmem:s25+$0x50] =	vst v0  }
0x203: {  	v0 =	vld [tilespmem:s26+$0x60];
	_ =	sdelay $0x4  }
0x204: {  	v0 =	vmul.f32 $8.000000000e+00, v0;
	_ =	sdelay $0x1  }
0x205: {  	[tilespmem:s25+$0x60] =	vst v0  }
0x206: {  	v0 =	vld [tilespmem:s26+$0x70];
	_ =	sdelay $0x4  }
0x207: {  	v0 =	vmul.f32 $8.000000000e+00, v0;
	_ =	sdelay $0x1  }
0x208: {  	s28 =	simm.s32 $0x6580;
	s26 =	simm.s32 $0x0;
	[tilespmem:s25+$0x70] =	vst v0  }
.LBB2_12:
0x209: {  	v0 =	vld [tilespmem:s28+$0xFFFFFF80];
	s26 =	sadd.s32 $0x4, s26  }
0x20a: {  	p0 =	slt.u32 s26, $0x7C;
	_ =	sdelay $0x3  }
0x20b: {  	v0 =	vmul.f32 $8.000000000e+00, v0  }
0x20c: {  	s25 =	sadd.s32 $0x100, s25  }
0x20d: {  	[tilespmem:s25+$0xFFFFFF80] =	vst v0  }
0x20e: {  	v0 =	vld [tilespmem:s28+$0xFFFFFF90];
	_ =	sdelay $0x4  }
0x20f: {  	v0 =	vmul.f32 $8.000000000e+00, v0;
	_ =	sdelay $0x1  }
0x210: {  	[tilespmem:s25+$0xFFFFFF90] =	vst v0  }
0x211: {  	v0 =	vld [tilespmem:s28+$0xFFFFFFA0];
	_ =	sdelay $0x4  }
0x212: {  	v0 =	vmul.f32 $8.000000000e+00, v0;
	_ =	sdelay $0x1  }
0x213: {  	[tilespmem:s25+$0xFFFFFFA0] =	vst v0  }
0x214: {  	v0 =	vld [tilespmem:s28+$0xFFFFFFB0];
	_ =	sdelay $0x4  }
0x215: {  	v0 =	vmul.f32 $8.000000000e+00, v0;
	_ =	sdelay $0x1  }
0x216: {  	[tilespmem:s25+$0xFFFFFFB0] =	vst v0  }
0x217: {  	v0 =	vld [tilespmem:s28+$0xFFFFFFC0];
	_ =	sdelay $0x4  }
0x218: {  	v0 =	vmul.f32 $8.000000000e+00, v0;
	_ =	sdelay $0x1  }
0x219: {  	[tilespmem:s25+$0xFFFFFFC0] =	vst v0  }
0x21a: {  	v0 =	vld [tilespmem:s28+$0xFFFFFFD0];
	_ =	sdelay $0x4  }
0x21b: {  	v0 =	vmul.f32 $8.000000000e+00, v0;
	_ =	sdelay $0x1  }
0x21c: {  	[tilespmem:s25+$0xFFFFFFD0] =	vst v0  }
0x21d: {  	v0 =	vld [tilespmem:s28+$0xFFFFFFE0];
	_ =	sdelay $0x4  }
0x21e: {  	v0 =	vmul.f32 $8.000000000e+00, v0;
	_ =	sdelay $0x1  }
0x21f: {  	[tilespmem:s25+$0xFFFFFFE0] =	vst v0  }
0x220: {  	v0 =	vld [tilespmem:s28+$0xFFFFFFF0];
	_ =	sdelay $0x4  }
0x221: {  	v0 =	vmul.f32 $8.000000000e+00, v0;
	_ =	sdelay $0x1  }
0x222: {  	[tilespmem:s25+$0xFFFFFFF0] =	vst v0  }
0x223: {  	v0 =	vld [tilespmem:s28+$0x0];
	_ =	sdelay $0x4  }
0x224: {  	v0 =	vmul.f32 $8.000000000e+00, v0;
	_ =	sdelay $0x1  }
0x225: {  	[tilespmem:s25+$0x0] =	vst v0  }
0x226: {  	v0 =	vld [tilespmem:s28+$0x10];
	_ =	sdelay $0x4  }
0x227: {  	v0 =	vmul.f32 $8.000000000e+00, v0;
	_ =	sdelay $0x1  }
0x228: {  	[tilespmem:s25+$0x10] =	vst v0  }
0x229: {  	v0 =	vld [tilespmem:s28+$0x20];
	_ =	sdelay $0x4  }
0x22a: {  	v0 =	vmul.f32 $8.000000000e+00, v0;
	_ =	sdelay $0x1  }
0x22b: {  	[tilespmem:s25+$0x20] =	vst v0  }
0x22c: {  	v0 =	vld [tilespmem:s28+$0x30];
	_ =	sdelay $0x4  }
0x22d: {  	v0 =	vmul.f32 $8.000000000e+00, v0;
	_ =	sdelay $0x1  }
0x22e: {  	[tilespmem:s25+$0x30] =	vst v0  }
0x22f: {  	v0 =	vld [tilespmem:s28+$0x40];
	_ =	sdelay $0x4  }
0x230: {  	v0 =	vmul.f32 $8.000000000e+00, v0;
	_ =	sdelay $0x1  }
0x231: {  	[tilespmem:s25+$0x40] =	vst v0  }
0x232: {  	v0 =	vld [tilespmem:s28+$0x50];
	_ =	sdelay $0x4  }
0x233: {  	v0 =	vmul.f32 $8.000000000e+00, v0;
	_ =	sdelay $0x1  }
0x234: {  	[tilespmem:s25+$0x50] =	vst v0  }
0x235: {  	v0 =	vld [tilespmem:s28+$0x60];
	_ =	sdelay $0x4  }
0x236: {  	v0 =	vmul.f32 $8.000000000e+00, v0;
	_ =	sdelay $0x1  }
0x237: {  	[tilespmem:s25+$0x60] =	vst v0  }
0x238: {  	v0 =	vld [tilespmem:s28+$0x70];
	_ =	sdelay $0x2  }
.Ltmp5:
0x239: {  	(pc) =	sbr.rel @p0 .LBB2_12-.Ltmp5, $3  }
0x23a: {  	_ = 	snop  }
0x23b: {  	v0 =	vmul.f32 $8.000000000e+00, v0;
	_ =	sdelay $0x1  }
0x23c: {  	s28 =	sadd.s32 $0x100, s28;
	[tilespmem:s25+$0x70] =	vst v0  }
0x23d: {  	[hbm4b:s9+s3] =	stream.linear.scatter [tilespmem:s18], [sflag:$0x3], $0x2000, $0x38;
	[tilespmem:$0xE400] =	vst v63  }
0x23e: {  	_ =	swait.ge [sflag:s19], $0x2000  }
0x23f: {  	[sflag:s19] =	ssyncset.done $0x0  }
0x240: {  	[sflag:s19] =	ssyncadd.s32 $0xFFFFE000  }
0x241: {  	_ =	swait.ge [sflag:s23], $0x2000  }
0x242: {  	[sflag:s23] =	ssyncset.done $0x0  }
0x243: {  	s26 =	simm.s32 $0x8480;
	[sflag:s23] =	ssyncadd.s32 $0xFFFFE000  }
0x244: {  	v0 =	vld [tilespmem:s26+$0xFFFFFF80];
	_ =	sdelay $0x4  }
0x245: {  	v0 =	vmul.f32 $8.000000000e+00, v0  }
0x246: {  	s25 =	simm.s32 $0xC480  }
0x247: {  	[tilespmem:s25+$0xFFFFFF80] =	vst v0  }
0x248: {  	v0 =	vld [tilespmem:s26+$0xFFFFFF90];
	_ =	sdelay $0x4  }
0x249: {  	v0 =	vmul.f32 $8.000000000e+00, v0;
	_ =	sdelay $0x1  }
0x24a: {  	[tilespmem:s25+$0xFFFFFF90] =	vst v0  }
0x24b: {  	v0 =	vld [tilespmem:s26+$0xFFFFFFA0];
	_ =	sdelay $0x4  }
0x24c: {  	v0 =	vmul.f32 $8.000000000e+00, v0;
	_ =	sdelay $0x1  }
0x24d: {  	[tilespmem:s25+$0xFFFFFFA0] =	vst v0  }
0x24e: {  	v0 =	vld [tilespmem:s26+$0xFFFFFFB0];
	_ =	sdelay $0x4  }
0x24f: {  	v0 =	vmul.f32 $8.000000000e+00, v0;
	_ =	sdelay $0x1  }
0x250: {  	[tilespmem:s25+$0xFFFFFFB0] =	vst v0  }
0x251: {  	v0 =	vld [tilespmem:s26+$0xFFFFFFC0];
	_ =	sdelay $0x4  }
0x252: {  	v0 =	vmul.f32 $8.000000000e+00, v0;
	_ =	sdelay $0x1  }
0x253: {  	[tilespmem:s25+$0xFFFFFFC0] =	vst v0  }
0x254: {  	v0 =	vld [tilespmem:s26+$0xFFFFFFD0];
	_ =	sdelay $0x4  }
0x255: {  	v0 =	vmul.f32 $8.000000000e+00, v0;
	_ =	sdelay $0x1  }
0x256: {  	[tilespmem:s25+$0xFFFFFFD0] =	vst v0  }
0x257: {  	v0 =	vld [tilespmem:s26+$0xFFFFFFE0];
	_ =	sdelay $0x4  }
0x258: {  	v0 =	vmul.f32 $8.000000000e+00, v0;
	_ =	sdelay $0x1  }
0x259: {  	[tilespmem:s25+$0xFFFFFFE0] =	vst v0  }
0x25a: {  	v0 =	vld [tilespmem:s26+$0xFFFFFFF0];
	_ =	sdelay $0x4  }
0x25b: {  	v0 =	vmul.f32 $8.000000000e+00, v0;
	_ =	sdelay $0x1  }
0x25c: {  	[tilespmem:s25+$0xFFFFFFF0] =	vst v0  }
0x25d: {  	v0 =	vld [tilespmem:s26+$0x0];
	_ =	sdelay $0x4  }
0x25e: {  	v0 =	vmul.f32 $8.000000000e+00, v0;
	_ =	sdelay $0x1  }
0x25f: {  	[tilespmem:s25+$0x0] =	vst v0  }
0x260: {  	v0 =	vld [tilespmem:s26+$0x10];
	_ =	sdelay $0x4  }
0x261: {  	v0 =	vmul.f32 $8.000000000e+00, v0;
	_ =	sdelay $0x1  }
0x262: {  	[tilespmem:s25+$0x10] =	vst v0  }
0x263: {  	v0 =	vld [tilespmem:s26+$0x20];
	_ =	sdelay $0x4  }
0x264: {  	v0 =	vmul.f32 $8.000000000e+00, v0;
	_ =	sdelay $0x1  }
0x265: {  	[tilespmem:s25+$0x20] =	vst v0  }
0x266: {  	v0 =	vld [tilespmem:s26+$0x30];
	_ =	sdelay $0x4  }
0x267: {  	v0 =	vmul.f32 $8.000000000e+00, v0;
	_ =	sdelay $0x1  }
0x268: {  	[tilespmem:s25+$0x30] =	vst v0  }
0x269: {  	v0 =	vld [tilespmem:s26+$0x40];
	_ =	sdelay $0x4  }
0x26a: {  	v0 =	vmul.f32 $8.000000000e+00, v0;
	_ =	sdelay $0x1  }
0x26b: {  	[tilespmem:s25+$0x40] =	vst v0  }
0x26c: {  	v0 =	vld [tilespmem:s26+$0x50];
	_ =	sdelay $0x4  }
0x26d: {  	v0 =	vmul.f32 $8.000000000e+00, v0;
	_ =	sdelay $0x1  }
0x26e: {  	[tilespmem:s25+$0x50] =	vst v0  }
0x26f: {  	v0 =	vld [tilespmem:s26+$0x60];
	_ =	sdelay $0x4  }
0x270: {  	v0 =	vmul.f32 $8.000000000e+00, v0;
	_ =	sdelay $0x1  }
0x271: {  	[tilespmem:s25+$0x60] =	vst v0  }
0x272: {  	v0 =	vld [tilespmem:s26+$0x70];
	_ =	sdelay $0x4  }
0x273: {  	v0 =	vmul.f32 $8.000000000e+00, v0;
	_ =	sdelay $0x1  }
0x274: {  	s28 =	simm.s32 $0x8580;
	s26 =	simm.s32 $0x0;
	[tilespmem:s25+$0x70] =	vst v0  }
.LBB2_14:
0x275: {  	v0 =	vld [tilespmem:s28+$0xFFFFFF80];
	s26 =	sadd.s32 $0x4, s26  }
0x276: {  	p0 =	slt.u32 s26, $0x7C;
	_ =	sdelay $0x3  }
0x277: {  	v0 =	vmul.f32 $8.000000000e+00, v0  }
0x278: {  	s25 =	sadd.s32 $0x100, s25  }
0x279: {  	[tilespmem:s25+$0xFFFFFF80] =	vst v0  }
0x27a: {  	v0 =	vld [tilespmem:s28+$0xFFFFFF90];
	_ =	sdelay $0x4  }
0x27b: {  	v0 =	vmul.f32 $8.000000000e+00, v0;
	_ =	sdelay $0x1  }
0x27c: {  	[tilespmem:s25+$0xFFFFFF90] =	vst v0  }
0x27d: {  	v0 =	vld [tilespmem:s28+$0xFFFFFFA0];
	_ =	sdelay $0x4  }
0x27e: {  	v0 =	vmul.f32 $8.000000000e+00, v0;
	_ =	sdelay $0x1  }
0x27f: {  	[tilespmem:s25+$0xFFFFFFA0] =	vst v0  }
0x280: {  	v0 =	vld [tilespmem:s28+$0xFFFFFFB0];
	_ =	sdelay $0x4  }
0x281: {  	v0 =	vmul.f32 $8.000000000e+00, v0;
	_ =	sdelay $0x1  }
0x282: {  	[tilespmem:s25+$0xFFFFFFB0] =	vst v0  }
0x283: {  	v0 =	vld [tilespmem:s28+$0xFFFFFFC0];
	_ =	sdelay $0x4  }
0x284: {  	v0 =	vmul.f32 $8.000000000e+00, v0;
	_ =	sdelay $0x1  }
0x285: {  	[tilespmem:s25+$0xFFFFFFC0] =	vst v0  }
0x286: {  	v0 =	vld [tilespmem:s28+$0xFFFFFFD0];
	_ =	sdelay $0x4  }
0x287: {  	v0 =	vmul.f32 $8.000000000e+00, v0;
	_ =	sdelay $0x1  }
0x288: {  	[tilespmem:s25+$0xFFFFFFD0] =	vst v0  }
0x289: {  	v0 =	vld [tilespmem:s28+$0xFFFFFFE0];
	_ =	sdelay $0x4  }
0x28a: {  	v0 =	vmul.f32 $8.000000000e+00, v0;
	_ =	sdelay $0x1  }
0x28b: {  	[tilespmem:s25+$0xFFFFFFE0] =	vst v0  }
0x28c: {  	v0 =	vld [tilespmem:s28+$0xFFFFFFF0];
	_ =	sdelay $0x4  }
0x28d: {  	v0 =	vmul.f32 $8.000000000e+00, v0;
	_ =	sdelay $0x1  }
0x28e: {  	[tilespmem:s25+$0xFFFFFFF0] =	vst v0  }
0x28f: {  	v0 =	vld [tilespmem:s28+$0x0];
	_ =	sdelay $0x4  }
0x290: {  	v0 =	vmul.f32 $8.000000000e+00, v0;
	_ =	sdelay $0x1  }
0x291: {  	[tilespmem:s25+$0x0] =	vst v0  }
0x292: {  	v0 =	vld [tilespmem:s28+$0x10];
	_ =	sdelay $0x4  }
0x293: {  	v0 =	vmul.f32 $8.000000000e+00, v0;
	_ =	sdelay $0x1  }
0x294: {  	[tilespmem:s25+$0x10] =	vst v0  }
0x295: {  	v0 =	vld [tilespmem:s28+$0x20];
	_ =	sdelay $0x4  }
0x296: {  	v0 =	vmul.f32 $8.000000000e+00, v0;
	_ =	sdelay $0x1  }
0x297: {  	[tilespmem:s25+$0x20] =	vst v0  }
0x298: {  	v0 =	vld [tilespmem:s28+$0x30];
	_ =	sdelay $0x4  }
0x299: {  	v0 =	vmul.f32 $8.000000000e+00, v0;
	_ =	sdelay $0x1  }
0x29a: {  	[tilespmem:s25+$0x30] =	vst v0  }
0x29b: {  	v0 =	vld [tilespmem:s28+$0x40];
	_ =	sdelay $0x4  }
0x29c: {  	v0 =	vmul.f32 $8.000000000e+00, v0;
	_ =	sdelay $0x1  }
0x29d: {  	[tilespmem:s25+$0x40] =	vst v0  }
0x29e: {  	v0 =	vld [tilespmem:s28+$0x50];
	_ =	sdelay $0x4  }
0x29f: {  	v0 =	vmul.f32 $8.000000000e+00, v0;
	_ =	sdelay $0x1  }
0x2a0: {  	[tilespmem:s25+$0x50] =	vst v0  }
0x2a1: {  	v0 =	vld [tilespmem:s28+$0x60];
	_ =	sdelay $0x4  }
0x2a2: {  	v0 =	vmul.f32 $8.000000000e+00, v0;
	_ =	sdelay $0x1  }
0x2a3: {  	[tilespmem:s25+$0x60] =	vst v0  }
0x2a4: {  	v0 =	vld [tilespmem:s28+$0x70];
	_ =	sdelay $0x2  }
.Ltmp6:
0x2a5: {  	(pc) =	sbr.rel @p0 .LBB2_14-.Ltmp6, $3  }
0x2a6: {  	_ = 	snop  }
0x2a7: {  	v0 =	vmul.f32 $8.000000000e+00, v0;
	_ =	sdelay $0x1  }
0x2a8: {  	s28 =	sadd.s32 $0x100, s28;
	[tilespmem:s25+$0x70] =	vst v0  }
0x2a9: {  	[hbm4b:s10+s3] =	stream.linear.scatter [tilespmem:s21], [sflag:$0x4], $0x2000, $0x38;
	[tilespmem:$0xE400] =	vst v63  }
0x2aa: {  	s24 =	sadd.s32 $0x1, s24  }
0x2ab: {  	_ =	swait.ge [sflag:s22], $0x2000;
	p0 =	sne.s32 s24, s11  }
.Ltmp7:
0x2ac: {  	[sflag:s22] =	ssyncset.done $0x0;
	(pc) =	sbr.rel @p0 .LBB2_1-.Ltmp7, $4  }
0x2ad: {  	[sflag:s22] =	ssyncadd.s32 $0xFFFFE000  }
0x2ae: {  	_ =	swait.ge [sflag:s23], $0x2000  }
0x2af: {  	[sflag:s23] =	ssyncset.done $0x0  }
0x2b0: {  	[sflag:s23] =	ssyncadd.s32 $0xFFFFE000  }
0x2b1: {  	_ =	sfence.sel $0x180000  }
0x2b2: {  	[bflag:$0x0] =	sbarrier.arrive $0xFFFF  }
0x2b3: {  	p0 =	sne.s32 s0, $0x0;
	_ =	strace $0x90000047  }
0x2b4: {  	s0 =	sadd.s32 @!p0 $0x100000, s1;
	[bflag:$0x2] =	sbarrier.arrive $0xFFFF  }
0x2b5: {  	[sflag:s0] =	ssyncadd.tile.s32 @!p0 $0x1;
	_ =	shalt  }
.Lfunc_end2:
_tile_overlayer_lowered:
.L_overlay_start_2:
0x2b6: {  	(tag) =	ssettag $0x2  }
0x2b7: {  	s0 =	rddreg [dreg:$0x0];
	s2 =	stileid.u32  }
0x2b8: {  	s1 =	rddreg [dreg:$0x1];
	p0 =	sne.s32 s2, $0x0  }
0x2b9: {  	s3 =	rddreg [dreg:$0x2];
	[bflag:$0x3] =	sbarrier.arrive $0xFFFF;
	s2 =	simm.s32 @!p0 $0x1C05  }
0x2ba: {  	[timem:s3], [sflag:s2] =	dma.local @!p0 [hbm:s0], s1  }
0x2bb: {  	s0 =	simm.s32 @!p0 $0x5  }
0x2bc: {  	_ =	swait.ge @!p0 [sflag:s0], s1  }
0x2bd: {  	s1 =	ssub.s32 @!p0 $0x0, s1;
	[sflag:s0] =	ssyncset.done @!p0 $0x0  }
0x2be: {  	[sflag:s0] =	ssyncadd.s32 @!p0 s1  }
0x2bf: {  	[bflag:$0x3] =	sbarrier.arrive $0xFFFF  }
0x2c0: {  	_ =	shalt  }

// kernel: sparse-core-data-format-call.cloned.1.call-start
scs
called_computation_lowered:
.L_overlay_start_0:
0x0: {  	s2 =	sld [smem:$0x3FD9]  }
0x1: {  	s3 =	sld [smem:$0x3FFE];
	_ =	sdelay $0x1  }
0x2: {  	s1 =	srdreg.scid  }
0x3: {  	s0 =	sand.u32 $0x1, s1  }
0x4: {  	s18 =	sshll.u32 s0, $0xA;
	s2 =	sadd.s32 s3, s2  }
0x5: {  	s2 =	sadd.s32 s2, s18  }
0x6: {  	[smem:$0x3FC6] =	sst s2  }
0x7: {  	_ = 	snop  }
0x8: {  	s2 =	sld [smem:$0x3FD0];
	(tm) =	ssettm $0x1  }
0x9: {  	s19 =	sld [smem:$0x3FFB];
	_ =	sdelay $0x3  }
0xa: {  	_ =	strace s19  }
0xb: {  	s3 =	sld [smem:$0x3FFC];
	_ =	sdelay $0x3  }
0xc: {  	_ =	strace s3  }
0xd: {  	s3 =	sld [smem:$0x3FFD];
	_ =	sdelay $0x3  }
0xe: {  	_ =	strace s3  }
0xf: {  	_ =	strace $0x8FFFFFFF  }
0x10: {  	s20 =	sld [smem:$0x3FDB];
	_ =	sdelay $0x1  }
0x11: {  	s4 =	simm.s32 $_scs_section_size  }
0x12: {  	s5 =	simm.s32 $_size__tile_overlayer_lowered;
	s6 =	simm.s32 $_tile_overlayer_lowered  }
0x13: {  	s23 =	simm.s32 $0x1BFF;
	s22 =	sshll.u32 s6, $0x1;
	s3 =	sadd.s32 s4, s20  }
0x14: {  	s7 =	simm.s32 $0x0;
	s21 =	sshll.u32 s5, $0x1;
	s5 =	sadd.s32 s22, s3  }
0x15: {  	[timem:s7], [sflag:s23] =	dma.local [hbm:s5], s21  }
0x16: {  	_ =	swait.ge [sflag:s23], s21  }
0x17: {  	s4 =	ssub.s32 $0x0, s21;
	[sflag:s23] =	ssyncset.done $0x0  }
0x18: {  	[sflag:s23] =	ssyncadd.s32 s4;
	_ =	sdelay $0x1  }
0x19: {  	s24 =	simm.s32 $0x1B8B  }
0x1a: {  	_ =	swait.ge [sflag:s24], $0x1  }
0x1b: {  	[sflag:s24] =	ssyncset.done $0x0  }
0x1c: {  	s26 =	simm.s32 $0x1B8E;
	s25 =	sld [smem:$0x3FFE];
	[sflag:s24] =	ssyncadd.s32 $0xFFFFFFFF  }
0x1d: {  	s27 =	simm.s32 $execute0_lowered;
	[smem:$0x3FD2] =	sst s26  }
0x1e: {  	s5 =	sshll.u32 s27, $0x1;
	_ =	strace $0x80000049;
	[dreg:$0x1] =	wrdreg $0xFFFFFFFF  }
0x1f: {  	s28 =	simm.s32 $_size_execute0_lowered;
	s3 =	sadd.s32 s3, s5;
	[dreg:$0x0] =	wrdreg $0x0  }
0x20: {  	s5 =	sshll.u32 s28, $0x1;
	[dreg:$0x2] =	wrdreg s3  }
0x21: {  	[dreg:$0x3] =	wrdreg s5  }
0x22: {  	[dreg:$0x4] =	wrdreg $0xC0  }
0x23: {  	_ =	task [dreg:s7], $0x5FFFF  }
0x24: {  	[dreg:$0x1] =	wrdreg $0xFFFFFFFF  }
0x25: {  	[dreg:$0x0] =	wrdreg $0x60  }
0x26: {  	[dreg:$0x2] =	wrdreg s25  }
0x27: {  	[dreg:$0x3] =	wrdreg s2  }
0x28: {  	[dreg:$0x4] =	wrdreg $0x9  }
0x29: {  	_ =	task.clear_ibuf [dreg:s7], $0x5FFFF;
	_ =	strace $0x90000049  }
0x2a: {  	s29 =	simm.s32 $0x9;
	_ =	strace $0x8000004B  }
0x2b: {  	_ =	swait.ge [sflag:s29], $0x1  }
0x2c: {  	[sflag:s29] =	ssyncadd.s32 $0xFFFFFFFF  }
0x2d: {  	_ =	strace $0x9000004B  }
0x2e: {  	_ =	sfence  }
0x2f: {  	s30 =	sld [smem:$0x0];
	_ =	sdelay $0x2  }
0x30: {  	s31 =	sshll.u32 s1, $0xD;
	s1 =	sshrl.u32 s1, $0x2  }
0x31: {  	s3 =	sand.u32 $0x4000, s31;
	s1 =	sadd.s32 s1, s30  }
0x32: {  	s0 =	sor.u32 s3, s0;
	s1 =	sshll.u32 s1, $0x11  }
0x33: {  	s0 =	sor.u32 s1, s0  }
0x34: {  	s0 =	sadd.s32 $0x8F2B, s0  }
0x35: {  	[sflag:s0] =	ssyncadd.remote.s32 $0x1  }
0x36: {  	_ =	sfence.sel $0xFFFF  }
0x37: {  	[dreg:$0x0] =	wrdreg $0xFFFFFFFF;
	(pc) =	sbr.abs _section_cstart, $3  }
0x38: {  	[dreg:$0x1] =	wrdreg $0xFFFFFFFF  }
0x39: {  	_ =	task.clear_ibuf [dreg:s7], $0x2FFFF;
	_ =	strace $0x9FFFFFFF  }
0x3a: {  	(tm) =	ssettm $0x7FFFFFFF  }
0x3b: {  	_ =	shalt  }
tec
execute0_lowered:
.L_overlay_start_1:
0x0: {  	(tag) =	ssettag $0x1  }
0x1: {  	s0 =	srdreg.scid  }
0x2: {  	s1 =	sshll.u32 s0, $0x4  }
0x3: {  	s0 =	stileid.u32;
	s1 =	sand.u32 $0x10, s1  }
0x4: {  	s1 =	sor.u32 s0, s1  }
0x5: {  	s6 =	rddreg [dreg:$0x0];
	s4 =	simm.s32 $0x1;
	s2 =	sshll.u32 s1, $0x7  }
0x6: {  	s7 =	simm.s32 $0x2;
	s12 =	simm.s32 $0x0;
	s1 =	ssub.s32 $0x1000, s2  }
0x7: {  	s8 =	simm.s32 $0x8000;
	s13 =	simm.s32 $0x0;
	s3 =	sand.u32 $0xF80, s1  }
0x8: {  	s9 =	simm.s32 $0x0;
	s5 =	sshrl.u32 s1, $0xC;
	p0 =	sne.s32 s3, $0x0  }
.Ltmp0:
0x9: {  	s1 =	rddreg [dreg:$0x2];
	s4 =	simm.s32 @!p0 $0x0;
	(pc) =	sbr.rel .LBB1_1-.Ltmp0, $4  }
0xa: {  	s11 =	simm.s32 $0x0;
	s3 =	rddreg [dreg:$0x1];
	s5 =	sadd.s32 s4, s5  }
0xb: {  	_ =	strace $0x8000004A;
	s4 =	simm.s32 $0x1;
	s5 =	smul.u32 $0xC8, s5  }
0xc: {  	s6 =	sadd.s32 $0xA00, s6;
	s10 =	smov.u32 s2;
	[sflag:s4] =	ssyncpa.u1 $0x0  }
0xd: {  	p0 =	por $0x0, $0x0;
	[sflag:s7] =	ssyncpa.u1 $0x0;
	s7 =	sor.u32 $0x1, s5  }
.LBB1_4:
0xe: {  	s16 =	sshll.u32 s13, $0x3;
	s17 =	sand.u32 $0x78, s13  }
0xf: {  	s30 =	sand.u32 $0x7E00, s13;
	s12 =	sshll.u32 s12, $0xF;
	s16 =	sand.u32 $0xC00, s16  }
0x10: {  	[tilespmem:s15+$0x810 ss:$0x81] =	vst.msk $0xffff, v2;
	s31 =	sand.u32 $0x7, s13;
	s16 =	sor.u32 s17, s16;
	s17 =	sadd.s32 s3, s30  }
0x11: {  	[tilespmem:s15+$0x1020 ss:$0x81] =	vst.msk $0xffff, v0;
	s13 =	sshll.u32 s31, $0x12;
	s12 =	sadd.s32 s12, s17;
	s16 =	sshrl.u32 s16, $0x3  }
0x12: {  	[tilespmem:s15+$0x0 ss:$0x81] =	vst.msk $0xffff, v1;
	s13 =	sor.u32 $0x400, s13;
	s12 =	sadd.s32 s16, s12  }
0x13: {  	[hbm4b:s12+s13] =	stream.strided.scatter [tilespmem:s14], [sflag:$0x2], $0x2000, s8, s13, $0x20;
	[tilespmem:$0x8080] =	vst v63  }
.LBB1_5:
0x14: {  	s14 =	sadd.s32 $0x1, s9  }
0x15: {  	s12 =	sadd.s32 $0x1000, s10;
	s16 =	smov.u32 s10;
	p2 =	sgt.s32 s14, $0xC7  }
0x16: {  	s16 =	smov.u32 @p2 s12  }
0x17: {  	s14 =	simm.s32 @p2 $0x0;
	p2 =	sgt.s32 s16, $0xFFF  }
0x18: {  	s16 =	smov.u32 @p2 s2;
	p2 =	sne.s32 s11, s7  }
.Ltmp1:
0x19: {  	p1 =	slt.u32 s11, $0x2;
	(pc) =	sbr.rel @!p2 .LBB1_6-.Ltmp1, $4  }
0x1a: {  	s15 =	simm.s32 @!p1 $0x2  }
0x1b: {  	s13 =	smov.u32 s10;
	p0 =	por !p0, !p0;
	_ =	swait.ge @!p1 [sflag:s15], $0x2000  }
0x1c: {  	s12 =	smov.u32 s9;
	[sflag:s15] =	ssyncset.done @!p1 $0x0;
	s9 =	smov.u32 s14  }
0x1d: {  	s11 =	sadd.s32 $0x1, s11;
	[sflag:s15] =	ssyncadd.s32 @!p1 $0xFFFFE000;
	s10 =	smov.u32 s16  }
.LBB1_1:
0x1e: {  	p1 =	sge.u32 s11, s5  }
0x1f: {  	s14 =	sand.u32 @!p1 $0x1FFFFFF, s9  }
0x20: {  	s15 =	smulhi.u32 @!p1 $0x147AE15, s14;
	_ =	sdelay $0x1  }
0x21: {  	s15 =	smul.u32 @!p1 $0xC8, s15  }
0x22: {  	s16 =	sxor.u32 @!p1 $0xFFFFFFFF, s11;
	s17 =	smul.u32 @!p1 $0xC80, s10  }
0x23: {  	s31 =	sadd.s32 $0xFFFFFFFF, s11;
	s16 =	sshll.u32 @!p1 s16, $0xD;
	s14 =	ssub.s32 @!p1 s14, s15  }
0x24: {  	s15 =	sand.u32 @!p1 $0x2000, s16;
	s16 =	sadd.s32 @!p1 s6, s17;
	s14 =	sshll.u32 @!p1 s14, $0x4  }
0x25: {  	s17 =	simm.s32 @!p1 $0x6400;
	s14 =	sadd.s32 @!p1 s14, s16;
	s16 =	simm.s32 @!p1 $0x40  }
0x26: {  	[tilespmem:s15], [sflag:$0x1] =	stream.strided.gather @!p1 [hbm4b:s14+s16], $0x2000, s17, s16, $0x38;
	[tilespmem:$0x8080] =	vst v63  }
0x27: {  	p1 =	sge.u32 s31, s5  }
.Ltmp2:
0x28: {  	_ = 	snop;
	(pc) =	sbr.rel @p1 .LBB1_5-.Ltmp2, $1  }
0x29: {  	_ =	sdelay $0x3  }
0x2a: {  	s14 =	simm.s32 $0x1  }
0x2b: {  	_ =	swait.ge [sflag:s4], $0x2000;
	s14 =	simm.s32 @!p0 $0x0  }
0x2c: {  	[sflag:s4] =	ssyncset.done $0x0;
	s15 =	sshll.u32 s14, $0xD  }
0x2d: {  	[sflag:s4] =	ssyncadd.s32 $0xFFFFE000;
	s18 =	sor.u32 $0x20, s15  }
0x2e: {  	s14 =	smul.u32 $0x8100, s14;
	v3 =	vld [tilespmem:s18+$0x10]  }
0x2f: {  	s30 =	sand.u32 $0x1, s11;
	v2 =	vld [tilespmem:s18+$0xFFFFFFF0]  }
0x30: {  	s15 =	smul.u32 $0x8100, s30;
	s14 =	sshrl.u32 s14, $0x2;
	v0 =	vld [tilespmem:s18+$0x0]  }
0x31: {  	v1 =	vld [tilespmem:s18+$0xFFFFFFE0];
	s16 =	sor.u32 $0x4000, s14  }
0x32: {  	s31 =	sshrl.u32 s15, $0x2;
	s15 =	sadd.s32 $0x0, s16  }
0x33: {  	s17 =	simm.s32 $0x4;
	s18 =	sadd.s32 $0x40, s18;
	s14 =	sor.u32 $0x4000, s31;
	[tilespmem:s15+$0x1830 ss:$0x81] =	vst.msk $0xffff, v3  }
.LBB1_3:
0x34: {  	v3 =	vld [tilespmem:s18+$0x10];
	p1 =	sne.s32 s17, $0x1FC;
	[tilespmem:s15+$0x810 ss:$0x81] =	vst.msk $0xffff, v2;
	s19 =	smov.u32 s17;
	s17 =	sadd.s32 $0x4, s17  }
.Ltmp3:
0x35: {  	v2 =	vld [tilespmem:s18+$0xFFFFFFF0];
	[tilespmem:s15+$0x1020 ss:$0x81] =	vst.msk $0xffff, v0;
	(pc) =	sbr.rel @p1 .LBB1_3-.Ltmp3, $4  }
0x36: {  	v0 =	vld [tilespmem:s18+$0x0];
	[tilespmem:s15+$0x0 ss:$0x81] =	vst.msk $0xffff, v1  }
0x37: {  	s15 =	sshra.s32 s19, $0x2;
	v1 =	vld [tilespmem:s18+$0xFFFFFFE0]  }
0x38: {  	s15 =	sadd.s32 s15, s16  }
0x39: {  	s18 =	sadd.s32 $0x40, s18;
	[tilespmem:s15+$0x1830 ss:$0x81] =	vst.msk $0xffff, v3  }
.Ltmp4:
0x3a: {  	_ = 	snop;
	(pc) =	sbr.rel .LBB1_4-.Ltmp4, $1  }
0x3b: {  	_ =	sdelay $0x3  }
.LBB1_6:
0x3c: {  	_ =	sfence.sel $0x180000  }
0x3d: {  	s2 =	simm.s32 $0x1;
	[bflag:$0x0] =	sbarrier.arrive $0xFFFF  }
0x3e: {  	s31 =	simm.s32 $0x2;
	[sflag:s2] =	ssyncpa.u1 $0x1  }
0x3f: {  	[sflag:s31] =	ssyncpa.u1 $0x1  }
0x40: {  	p0 =	sne.s32 s0, $0x0;
	_ =	strace $0x9000004A  }
0x41: {  	s0 =	sadd.s32 @!p0 $0x100000, s1;
	[bflag:$0x2] =	sbarrier.arrive $0xFFFF  }
0x42: {  	[sflag:s0] =	ssyncadd.tile.s32 @!p0 $0x1;
	_ =	shalt  }
.Lfunc_end1:
_tile_overlayer_lowered:
.L_overlay_start_2:
0x43: {  	(tag) =	ssettag $0x2  }
0x44: {  	s0 =	rddreg [dreg:$0x0];
	s2 =	stileid.u32  }
0x45: {  	s1 =	rddreg [dreg:$0x1];
	p0 =	sne.s32 s2, $0x0  }
0x46: {  	s3 =	rddreg [dreg:$0x2];
	[bflag:$0x3] =	sbarrier.arrive $0xFFFF;
	s2 =	simm.s32 @!p0 $0x1C01  }
0x47: {  	[timem:s3], [sflag:s2] =	dma.local @!p0 [hbm:s0], s1  }
0x48: {  	s0 =	simm.s32 @!p0 $0x1  }
0x49: {  	_ =	swait.ge @!p0 [sflag:s0], s1  }
0x4a: {  	s1 =	ssub.s32 @!p0 $0x0, s1;
	[sflag:s0] =	ssyncset.done @!p0 $0x0  }
0x4b: {  	[sflag:s0] =	ssyncadd.s32 @!p0 s1  }
0x4c: {  	[bflag:$0x3] =	sbarrier.arrive $0xFFFF  }
0x4d: {  	_ =	shalt  }

</sc_bundles>
